<compile_context>
chip_gen: v7x
topology: tpu7x:2x2x1
jax: 0.10.2.dev20260603
libtpu: 0.0.44.dev20260713+nightly
codegen_flags: <defaults>
</compile_context>

<pallas_src>
import jax
import jax.numpy as jnp
from jax import lax
from jax.experimental import pallas as pl
from jax.experimental.pallas import tpu as pltpu
from jax.experimental.pallas import tpu_sc as plsc

N_NODES = 10000
N_SPECIES = 4
N_BASIS = 16
N_MAX = 8
L_MAX = 3
R_CUT = 5.0
N_FEAT = (L_MAX + 1) * N_MAX
N_ROWS = N_NODES * N_SPECIES

_EBLK = 512
_NS = 16
_N_EDGES = 640000
_EDGES_PER_WORKER = _N_EDGES // _NS
_CHUNK = 800
_SCAT = 80
_DRAIN = 400
_N_DRAIN = N_ROWS // _DRAIN


def _feat_body(dv_ref, mu_ref, g_ref, w2_ref, out_ref):
    dv = dv_ref[...]
    r = jnp.sqrt(jnp.sum(dv * dv, axis=1, keepdims=True) + 1e-12)
    fc = 0.5 * (jnp.cos(jnp.pi * jnp.clip(r / R_CUT, 0.0, 1.0)) + 1.0)
    g = g_ref[0, 0]
    basis = jnp.exp(-g * (r - mu_ref[...]) ** 2) * fc
    out_ref[...] = jnp.dot(basis, w2_ref[...], preferred_element_type=jnp.float32)


def _edge_features(direction_vectors, W, mu, gamma):
    E = direction_vectors.shape[0]
    w2 = W.transpose(1, 0, 2).reshape(N_BASIS, N_FEAT)
    mu2 = mu.reshape(1, N_BASIS)
    g2 = gamma.reshape(1, 1)
    return pl.pallas_call(
        _feat_body,
        grid=(E // _EBLK,),
        in_specs=[
            pl.BlockSpec((_EBLK, 3), lambda i: (i, 0)),
            pl.BlockSpec((1, N_BASIS), lambda i: (0, 0)),
            pl.BlockSpec((1, 1), lambda i: (0, 0)),
            pl.BlockSpec((N_BASIS, N_FEAT), lambda i: (0, 0)),
        ],
        out_specs=pl.BlockSpec((_EBLK, N_FEAT), lambda i: (i, 0)),
        out_shape=jax.ShapeDtypeStruct((E, N_FEAT), jnp.float32),
    )(direction_vectors, mu2, g2, w2)


def _sc_body(feat_hbm, p0_hbm, p1_hbm, spec_hbm, out_hbm,
             table_sh, svmem, p0v, p1v, fvmem, idx2d, zvmem):
    s = lax.axis_index("s")

    def _zfill(i, _):
        zvmem[i, pl.ds(0, 16)] = jnp.zeros((16,), jnp.float32)
        zvmem[i, pl.ds(16, 16)] = jnp.zeros((16,), jnp.float32)
        return 0
    lax.fori_loop(0, _DRAIN, _zfill, 0)
    for j in range((_N_DRAIN + _NS - 1) // _NS):
        q = j * _NS + s
        @pl.when(q < _N_DRAIN)
        def _():
            pltpu.sync_copy(zvmem, table_sh.at[pl.ds(q * _DRAIN, _DRAIN)])
    plsc.subcore_barrier()

    pltpu.sync_copy(spec_hbm, svmem)

    wid = s
    n_chunks = _EDGES_PER_WORKER // _CHUNK

    def _chunk(t, _):
        eb = wid * _EDGES_PER_WORKER + t * _CHUNK
        pltpu.sync_copy(p0_hbm.at[pl.ds(eb, _CHUNK)], p0v)
        pltpu.sync_copy(p1_hbm.at[pl.ds(eb, _CHUNK)], p1v)
        pltpu.sync_copy(feat_hbm.at[pl.ds(eb, _CHUNK)], fvmem)

        def _idx(i, _):
            p1 = p1v[pl.ds(i * 16, 16)]
            aj = plsc.load_gather(svmem, [p1])
            p0 = p0v[pl.ds(i * 16, 16)]
            idx2d[i // 5, pl.ds((i % 5) * 16, 16)] = p0 * N_SPECIES + aj
            return 0
        lax.fori_loop(0, _CHUNK // 16, _idx, 0)

        for j in range(_CHUNK // _SCAT):
            pltpu.sync_copy(fvmem.at[pl.ds(j * _SCAT, _SCAT)],
                            table_sh.at[idx2d.at[j]], add=True)
        return 0

    lax.fori_loop(0, n_chunks, _chunk, 0)
    plsc.subcore_barrier()

    for j in range((_N_DRAIN + _NS - 1) // _NS):
        q = j * _NS + s
        @pl.when(q < _N_DRAIN)
        def _():
            pltpu.sync_copy(table_sh.at[pl.ds(q * _DRAIN, _DRAIN)], zvmem)
            pltpu.sync_copy(zvmem, out_hbm.at[pl.ds(q * _DRAIN, _DRAIN)])


def _sc_scatter(feat, p0, p1, species):
    mesh = plsc.VectorSubcoreMesh(core_axis_name="c", subcore_axis_name="s",
                                  num_cores=1)
    run = pl.kernel(
        _sc_body,
        out_type=jax.ShapeDtypeStruct((N_ROWS, N_FEAT), jnp.float32),
        mesh=mesh,
        compiler_params=pltpu.CompilerParams(needs_layout_passes=False,
                                             use_tc_tiling_on_sc=False),
        scratch_types=[
            pltpu.VMEM_SHARED((N_ROWS, N_FEAT), jnp.float32),
            pltpu.VMEM((N_NODES,), jnp.int32),
            pltpu.VMEM((_CHUNK,), jnp.int32),
            pltpu.VMEM((_CHUNK,), jnp.int32),
            pltpu.VMEM((_CHUNK, N_FEAT), jnp.float32),
            pltpu.VMEM((_CHUNK // _SCAT, _SCAT), jnp.int32),
            pltpu.VMEM((_DRAIN, N_FEAT), jnp.float32),
        ],
    )
    return run(feat, p0, p1, species)


def kernel(species, cell_shifts, centers, pairs, structure_centers,
           structure_pairs, direction_vectors, W, mu, gamma):
    feat = _edge_features(direction_vectors, W, mu, gamma)
    p0 = pairs[:, 0]
    p1 = pairs[:, 1]
    d = _sc_scatter(feat, p0, p1, species)
    out = d.reshape(N_NODES, N_SPECIES, L_MAX + 1, N_MAX)
    out = out.transpose(0, 2, 3, 1).reshape(N_NODES, -1)
    return out

# --- scband reference (transcript-rebuilt; emitter-appended) ---
"""Pipeline reference for scband-radial-expansion-58213986730384 (READ-ONLY COPY).

The authoritative reference and input builder live on the scoring server;
editing this copy changes nothing except your own understanding.
"""

import jax, jax.numpy as jnp
import numpy as np

N_NODES = 10000
N_EDGES = 640000
N_SPECIES = 4
N_BASIS = 16
N_MAX = 8
L_MAX = 3
R_CUT = 5.0


def setup_inputs(seed: int = 0):
    key = jax.random.key(seed)
    ks = jax.random.split(key, 6)
    species = jax.random.randint(ks[0], (N_NODES,), 0, N_SPECIES, dtype=jnp.int32)
    cell_shifts = jnp.zeros((N_EDGES, 3), dtype=jnp.int32)
    centers = jnp.arange(N_NODES, dtype=jnp.int32)
    pairs = jax.random.randint(ks[1], (N_EDGES, 2), 0, N_NODES, dtype=jnp.int32)
    structure_centers = jnp.zeros((N_NODES,), dtype=jnp.int32)
    structure_pairs = jnp.zeros((N_EDGES,), dtype=jnp.int32)
    direction_vectors = jax.random.normal(ks[2], (N_EDGES, 3), dtype=jnp.float32) * 1.5
    W = jax.random.normal(ks[3], (L_MAX + 1, N_BASIS, N_MAX), dtype=jnp.float32) * (1.0 / np.sqrt(N_BASIS))
    mu = jnp.linspace(0.0, R_CUT, N_BASIS).astype(jnp.float32)
    gamma = jnp.asarray(4.0, dtype=jnp.float32)
    return {"species": species, "cell_shifts": cell_shifts, "centers": centers, "pairs": pairs, "structure_centers": structure_centers, "structure_pairs": structure_pairs, "direction_vectors": direction_vectors, "W": W, "mu": mu, "gamma": gamma}


def reference(species, cell_shifts, centers, pairs, structure_centers, structure_pairs, direction_vectors, W, mu, gamma):
    # VectorExpansion: pair distances -> per-l radial basis coefficients
    r = jnp.sqrt(jnp.sum(direction_vectors ** 2, axis=-1) + 1e-12)
    fc = 0.5 * (jnp.cos(jnp.pi * jnp.clip(r / R_CUT, 0.0, 1.0)) + 1.0)
    basis = jnp.exp(-gamma * (r[:, None] - mu[None, :]) ** 2) * fc[:, None]  # [E, n_basis]
    # RadialExpansion: structure offsets -> global center index per pair
    n_struct = 1
    counts = jnp.bincount(structure_centers, length=n_struct)
    offsets = jnp.concatenate([jnp.zeros((1,), counts.dtype), jnp.cumsum(counts)[:-1]])
    pairs_offset = offsets[structure_pairs]
    center_idx = pairs[:, 0] + pairs_offset
    # non-alchemical path: neighbor species shift (species_to_index is identity since all_species = arange)
    aj = species[pairs[:, 1]]
    density_indices = center_idx * N_SPECIES + aj
    densities = []
    for l in range(L_MAX + 1):
        rb_l = basis @ W[l]  # [E, n_max] radial basis for angular channel l
        d = jnp.zeros((N_NODES * N_SPECIES, N_MAX), rb_l.dtype).at[density_indices].add(rb_l)
        d = d.reshape(N_NODES, N_SPECIES, N_MAX).swapaxes(1, 2).reshape(N_NODES, -1)
        densities.append(d)
    # TensorMap block split by center species is a pure row partition; keep original row order.
    return jnp.concatenate(densities, axis=1)

if __name__ == "__main__":
    import jax
    _d = setup_inputs()
    print(jax.jit(kernel)(*tuple(_d.values())))

</pallas_src>

<mosaic_0001>
#map = affine_map<(d0, d1) -> (0, 0)>
#map1 = affine_map<(d0, d1) -> (0)>
module attributes {stable_mosaic.version = 14 : i64} {
  func.func @_sc_body(%arg0: i32, %arg1: i32, %arg2: memref<640000x32xf32, #tpu.memory_space<hbm>>, %arg3: memref<640000xi32, #tpu.memory_space<hbm>>, %arg4: memref<640000xi32, #tpu.memory_space<hbm>>, %arg5: memref<10000xi32, #tpu.memory_space<hbm>>, %arg6: memref<40000x32xf32, #tpu.memory_space<hbm>>, %arg7: memref<40000x32xf32, #tpu.memory_space<vmem_shared>>, %arg8: memref<10000xi32, #tpu.memory_space<vmem>>, %arg9: memref<800xi32, #tpu.memory_space<vmem>>, %arg10: memref<800xi32, #tpu.memory_space<vmem>>, %arg11: memref<800x32xf32, #tpu.memory_space<vmem>>, %arg12: memref<10x80xi32, #tpu.memory_space<vmem>>, %arg13: memref<400x32xf32, #tpu.memory_space<vmem>>) attributes {dimension_semantics = [#tpu.dimension_semantics<core_parallel>, #tpu.dimension_semantics<subcore_parallel>], iteration_bounds = array<i64: 1, 16>, scalar_prefetch = 0 : i64, scratch_operands = 7 : i64, tpu.core_type = #tpu.core_type<sc_vector_subcore>, window_params = [{transform_indices = #map}, {transform_indices = #map1}, {transform_indices = #map1}, {transform_indices = #map1}, {transform_indices = #map}]} {
    %scan3A = arith.constant 0 : i32
    %scan3A_0 = arith.constant 0 : i32
    %scan3A_1 = arith.constant 400 : i32
    %scan3A_2 = arith.addi %scan3A_0, %scan3A_1 : i32
    %scan3A_3 = arith.constant 1 : i32
    %scan3A_4 = scf.for %scan3A_108 = %scan3A_0 to %scan3A_2 step %scan3A_3 iter_args(%scan3A_109 = %scan3A) -> (i32)  : i32 {
      %broadcast_in_dim3A = arith.constant 0.000000e+00 : f32
      %broadcast_in_dim3A_110 = vector.broadcast %broadcast_in_dim3A : f32 to vector<16xf32>
      %swap3A = arith.index_cast %scan3A_108 : i32 to index
      %swap3A_111 = arith.constant 0 : index
      %swap3A_112 = tpu.vector_load %arg13[%swap3A, %swap3A_111] {strides = array<i32>} : memref<400x32xf32, #tpu.memory_space<vmem>>, vector<16xf32>,
      tpu.vector_store %arg13[%swap3A, %swap3A_111], %broadcast_in_dim3A_110 {strides = array<i32>} : memref<400x32xf32, #tpu.memory_space<vmem>>, vector<16xf32>,
      %broadcast_in_dim3A_113 = arith.constant 0.000000e+00 : f32
      %broadcast_in_dim3A_114 = vector.broadcast %broadcast_in_dim3A_113 : f32 to vector<16xf32>
      %swap3A_115 = arith.index_cast %scan3A_108 : i32 to index
      %swap3A_116 = arith.constant 16 : index
      %swap3A_117 = tpu.vector_load %arg13[%swap3A_115, %swap3A_116] {strides = array<i32>} : memref<400x32xf32, #tpu.memory_space<vmem>>, vector<16xf32>,
      tpu.vector_store %arg13[%swap3A_115, %swap3A_116], %broadcast_in_dim3A_114 {strides = array<i32>} : memref<400x32xf32, #tpu.memory_space<vmem>>, vector<16xf32>,
      %scan3A_118 = arith.constant 0 : i32
      scf.yield %scan3A_118 : i32
    }
    %scan3A_5 = arith.constant 400 : i32
    %add3A = arith.constant 0 : i32
    %add3A_6 = arith.addi %add3A, %arg1 : i32
    %lt3A = arith.constant 100 : i32
    %lt3A_7 = arith.cmpi slt, %add3A_6, %lt3A : i32
    %convert_element_type3A = arith.extui %lt3A_7 : i1 to i32
    %cond3A = arith.constant 0 : i32
    %cond3A_8 = arith.cmpi ne, %convert_element_type3A, %cond3A : i32
    scf.if %cond3A_8 {
      %mul3A = arith.constant 400 : i32
      %mul3A_108 = arith.muli %add3A_6, %mul3A : i32
      "tpu.region"() ({
        %run_scoped3A = tpu.sem_alloc : memref<!tpu.dma_semaphore, #tpu.memory_space<semaphore_mem>>
        %dma_start3A = arith.constant 0 : i32
        %dma_start3A_109 = tpu.memref_slice %arg7[%mul3A_108, %dma_start3A] : memref<40000x32xf32, #tpu.memory_space<vmem_shared>> -> memref<400x32xf32, #tpu.memory_space<vmem_shared>>
        %dma_start3A_110 = arith.constant 0 : i32
        %dma_start3A_111 = tpu.memref_slice %arg7[%mul3A_108, %dma_start3A_110] : memref<40000x32xf32, #tpu.memory_space<vmem_shared>> -> memref<400x32xf32, #tpu.memory_space<vmem_shared>>
        tpu.enqueue_dma source(%arg13 : memref<400x32xf32, #tpu.memory_space<vmem>>) target(%dma_start3A_111 : memref<400x32xf32, #tpu.memory_space<vmem_shared>>) target_semaphore(%run_scoped3A : memref<!tpu.dma_semaphore, #tpu.memory_space<semaphore_mem>>)
        %dma_wait3A = arith.constant 0 : i32
        %dma_wait3A_112 = tpu.memref_slice %arg7[%mul3A_108, %dma_wait3A] : memref<40000x32xf32, #tpu.memory_space<vmem_shared>> -> memref<400x32xf32, #tpu.memory_space<vmem_shared>>
        %dma_wait3A_113 = arith.constant 0 : i32
        %dma_wait3A_114 = tpu.memref_slice %arg7[%mul3A_108, %dma_wait3A_113] : memref<40000x32xf32, #tpu.memory_space<vmem_shared>> -> memref<400x32xf32, #tpu.memory_space<vmem_shared>>
        tpu.wait_dma2 semaphore(%run_scoped3A : memref<!tpu.dma_semaphore, #tpu.memory_space<semaphore_mem>>) src(%arg13 : memref<400x32xf32, #tpu.memory_space<vmem>>) dst(%dma_wait3A_114 : memref<400x32xf32, #tpu.memory_space<vmem_shared>>)
        tpu.yield
      }) : () -> ()
    } else {
    }
    %add3A_9 = arith.constant 16 : i32
    %add3A_10 = arith.addi %add3A_9, %arg1 : i32
    %lt3A_11 = arith.constant 100 : i32
    %lt3A_12 = arith.cmpi slt, %add3A_10, %lt3A_11 : i32
    %convert_element_type3A_13 = arith.extui %lt3A_12 : i1 to i32
    %cond3A_14 = arith.constant 0 : i32
    %cond3A_15 = arith.cmpi ne, %convert_element_type3A_13, %cond3A_14 : i32
    scf.if %cond3A_15 {
      %mul3A = arith.constant 400 : i32
      %mul3A_108 = arith.muli %add3A_10, %mul3A : i32
      "tpu.region"() ({
        %run_scoped3A = tpu.sem_alloc : memref<!tpu.dma_semaphore, #tpu.memory_space<semaphore_mem>>
        %dma_start3A = arith.constant 0 : i32
        %dma_start3A_109 = tpu.memref_slice %arg7[%mul3A_108, %dma_start3A] : memref<40000x32xf32, #tpu.memory_space<vmem_shared>> -> memref<400x32xf32, #tpu.memory_space<vmem_shared>>
        %dma_start3A_110 = arith.constant 0 : i32
        %dma_start3A_111 = tpu.memref_slice %arg7[%mul3A_108, %dma_start3A_110] : memref<40000x32xf32, #tpu.memory_space<vmem_shared>> -> memref<400x32xf32, #tpu.memory_space<vmem_shared>>
        tpu.enqueue_dma source(%arg13 : memref<400x32xf32, #tpu.memory_space<vmem>>) target(%dma_start3A_111 : memref<400x32xf32, #tpu.memory_space<vmem_shared>>) target_semaphore(%run_scoped3A : memref<!tpu.dma_semaphore, #tpu.memory_space<semaphore_mem>>)
        %dma_wait3A = arith.constant 0 : i32
        %dma_wait3A_112 = tpu.memref_slice %arg7[%mul3A_108, %dma_wait3A] : memref<40000x32xf32, #tpu.memory_space<vmem_shared>> -> memref<400x32xf32, #tpu.memory_space<vmem_shared>>
        %dma_wait3A_113 = arith.constant 0 : i32
        %dma_wait3A_114 = tpu.memref_slice %arg7[%mul3A_108, %dma_wait3A_113] : memref<40000x32xf32, #tpu.memory_space<vmem_shared>> -> memref<400x32xf32, #tpu.memory_space<vmem_shared>>
        tpu.wait_dma2 semaphore(%run_scoped3A : memref<!tpu.dma_semaphore, #tpu.memory_space<semaphore_mem>>) src(%arg13 : memref<400x32xf32, #tpu.memory_space<vmem>>) dst(%dma_wait3A_114 : memref<400x32xf32, #tpu.memory_space<vmem_shared>>)
        tpu.yield
      }) : () -> ()
    } else {
    }
    %add3A_16 = arith.constant 32 : i32
    %add3A_17 = arith.addi %add3A_16, %arg1 : i32
    %lt3A_18 = arith.constant 100 : i32
    %lt3A_19 = arith.cmpi slt, %add3A_17, %lt3A_18 : i32
    %convert_element_type3A_20 = arith.extui %lt3A_19 : i1 to i32
    %cond3A_21 = arith.constant 0 : i32
    %cond3A_22 = arith.cmpi ne, %convert_element_type3A_20, %cond3A_21 : i32
    scf.if %cond3A_22 {
      %mul3A = arith.constant 400 : i32
      %mul3A_108 = arith.muli %add3A_17, %mul3A : i32
      "tpu.region"() ({
        %run_scoped3A = tpu.sem_alloc : memref<!tpu.dma_semaphore, #tpu.memory_space<semaphore_mem>>
        %dma_start3A = arith.constant 0 : i32
        %dma_start3A_109 = tpu.memref_slice %arg7[%mul3A_108, %dma_start3A] : memref<40000x32xf32, #tpu.memory_space<vmem_shared>> -> memref<400x32xf32, #tpu.memory_space<vmem_shared>>
        %dma_start3A_110 = arith.constant 0 : i32
        %dma_start3A_111 = tpu.memref_slice %arg7[%mul3A_108, %dma_start3A_110] : memref<40000x32xf32, #tpu.memory_space<vmem_shared>> -> memref<400x32xf32, #tpu.memory_space<vmem_shared>>
        tpu.enqueue_dma source(%arg13 : memref<400x32xf32, #tpu.memory_space<vmem>>) target(%dma_start3A_111 : memref<400x32xf32, #tpu.memory_space<vmem_shared>>) target_semaphore(%run_scoped3A : memref<!tpu.dma_semaphore, #tpu.memory_space<semaphore_mem>>)
        %dma_wait3A = arith.constant 0 : i32
        %dma_wait3A_112 = tpu.memref_slice %arg7[%mul3A_108, %dma_wait3A] : memref<40000x32xf32, #tpu.memory_space<vmem_shared>> -> memref<400x32xf32, #tpu.memory_space<vmem_shared>>
        %dma_wait3A_113 = arith.constant 0 : i32
        %dma_wait3A_114 = tpu.memref_slice %arg7[%mul3A_108, %dma_wait3A_113] : memref<40000x32xf32, #tpu.memory_space<vmem_shared>> -> memref<400x32xf32, #tpu.memory_space<vmem_shared>>
        tpu.wait_dma2 semaphore(%run_scoped3A : memref<!tpu.dma_semaphore, #tpu.memory_space<semaphore_mem>>) src(%arg13 : memref<400x32xf32, #tpu.memory_space<vmem>>) dst(%dma_wait3A_114 : memref<400x32xf32, #tpu.memory_space<vmem_shared>>)
        tpu.yield
      }) : () -> ()
    } else {
    }
    %add3A_23 = arith.constant 48 : i32
    %add3A_24 = arith.addi %add3A_23, %arg1 : i32
    %lt3A_25 = arith.constant 100 : i32
    %lt3A_26 = arith.cmpi slt, %add3A_24, %lt3A_25 : i32
    %convert_element_type3A_27 = arith.extui %lt3A_26 : i1 to i32
    %cond3A_28 = arith.constant 0 : i32
    %cond3A_29 = arith.cmpi ne, %convert_element_type3A_27, %cond3A_28 : i32
    scf.if %cond3A_29 {
      %mul3A = arith.constant 400 : i32
      %mul3A_108 = arith.muli %add3A_24, %mul3A : i32
      "tpu.region"() ({
        %run_scoped3A = tpu.sem_alloc : memref<!tpu.dma_semaphore, #tpu.memory_space<semaphore_mem>>
        %dma_start3A = arith.constant 0 : i32
        %dma_start3A_109 = tpu.memref_slice %arg7[%mul3A_108, %dma_start3A] : memref<40000x32xf32, #tpu.memory_space<vmem_shared>> -> memref<400x32xf32, #tpu.memory_space<vmem_shared>>
        %dma_start3A_110 = arith.constant 0 : i32
        %dma_start3A_111 = tpu.memref_slice %arg7[%mul3A_108, %dma_start3A_110] : memref<40000x32xf32, #tpu.memory_space<vmem_shared>> -> memref<400x32xf32, #tpu.memory_space<vmem_shared>>
        tpu.enqueue_dma source(%arg13 : memref<400x32xf32, #tpu.memory_space<vmem>>) target(%dma_start3A_111 : memref<400x32xf32, #tpu.memory_space<vmem_shared>>) target_semaphore(%run_scoped3A : memref<!tpu.dma_semaphore, #tpu.memory_space<semaphore_mem>>)
        %dma_wait3A = arith.constant 0 : i32
        %dma_wait3A_112 = tpu.memref_slice %arg7[%mul3A_108, %dma_wait3A] : memref<40000x32xf32, #tpu.memory_space<vmem_shared>> -> memref<400x32xf32, #tpu.memory_space<vmem_shared>>
        %dma_wait3A_113 = arith.constant 0 : i32
        %dma_wait3A_114 = tpu.memref_slice %arg7[%mul3A_108, %dma_wait3A_113] : memref<40000x32xf32, #tpu.memory_space<vmem_shared>> -> memref<400x32xf32, #tpu.memory_space<vmem_shared>>
        tpu.wait_dma2 semaphore(%run_scoped3A : memref<!tpu.dma_semaphore, #tpu.memory_space<semaphore_mem>>) src(%arg13 : memref<400x32xf32, #tpu.memory_space<vmem>>) dst(%dma_wait3A_114 : memref<400x32xf32, #tpu.memory_space<vmem_shared>>)
        tpu.yield
      }) : () -> ()
    } else {
    }
    %add3A_30 = arith.constant 64 : i32
    %add3A_31 = arith.addi %add3A_30, %arg1 : i32
    %lt3A_32 = arith.constant 100 : i32
    %lt3A_33 = arith.cmpi slt, %add3A_31, %lt3A_32 : i32
    %convert_element_type3A_34 = arith.extui %lt3A_33 : i1 to i32
    %cond3A_35 = arith.constant 0 : i32
    %cond3A_36 = arith.cmpi ne, %convert_element_type3A_34, %cond3A_35 : i32
    scf.if %cond3A_36 {
      %mul3A = arith.constant 400 : i32
      %mul3A_108 = arith.muli %add3A_31, %mul3A : i32
      "tpu.region"() ({
        %run_scoped3A = tpu.sem_alloc : memref<!tpu.dma_semaphore, #tpu.memory_space<semaphore_mem>>
        %dma_start3A = arith.constant 0 : i32
        %dma_start3A_109 = tpu.memref_slice %arg7[%mul3A_108, %dma_start3A] : memref<40000x32xf32, #tpu.memory_space<vmem_shared>> -> memref<400x32xf32, #tpu.memory_space<vmem_shared>>
        %dma_start3A_110 = arith.constant 0 : i32
        %dma_start3A_111 = tpu.memref_slice %arg7[%mul3A_108, %dma_start3A_110] : memref<40000x32xf32, #tpu.memory_space<vmem_shared>> -> memref<400x32xf32, #tpu.memory_space<vmem_shared>>
        tpu.enqueue_dma source(%arg13 : memref<400x32xf32, #tpu.memory_space<vmem>>) target(%dma_start3A_111 : memref<400x32xf32, #tpu.memory_space<vmem_shared>>) target_semaphore(%run_scoped3A : memref<!tpu.dma_semaphore, #tpu.memory_space<semaphore_mem>>)
        %dma_wait3A = arith.constant 0 : i32
        %dma_wait3A_112 = tpu.memref_slice %arg7[%mul3A_108, %dma_wait3A] : memref<40000x32xf32, #tpu.memory_space<vmem_shared>> -> memref<400x32xf32, #tpu.memory_space<vmem_shared>>
        %dma_wait3A_113 = arith.constant 0 : i32
        %dma_wait3A_114 = tpu.memref_slice %arg7[%mul3A_108, %dma_wait3A_113] : memref<40000x32xf32, #tpu.memory_space<vmem_shared>> -> memref<400x32xf32, #tpu.memory_space<vmem_shared>>
        tpu.wait_dma2 semaphore(%run_scoped3A : memref<!tpu.dma_semaphore, #tpu.memory_space<semaphore_mem>>) src(%arg13 : memref<400x32xf32, #tpu.memory_space<vmem>>) dst(%dma_wait3A_114 : memref<400x32xf32, #tpu.memory_space<vmem_shared>>)
        tpu.yield
      }) : () -> ()
    } else {
    }
    %add3A_37 = arith.constant 80 : i32
    %add3A_38 = arith.addi %add3A_37, %arg1 : i32
    %lt3A_39 = arith.constant 100 : i32
    %lt3A_40 = arith.cmpi slt, %add3A_38, %lt3A_39 : i32
    %convert_element_type3A_41 = arith.extui %lt3A_40 : i1 to i32
    %cond3A_42 = arith.constant 0 : i32
    %cond3A_43 = arith.cmpi ne, %convert_element_type3A_41, %cond3A_42 : i32
    scf.if %cond3A_43 {
      %mul3A = arith.constant 400 : i32
      %mul3A_108 = arith.muli %add3A_38, %mul3A : i32
      "tpu.region"() ({
        %run_scoped3A = tpu.sem_alloc : memref<!tpu.dma_semaphore, #tpu.memory_space<semaphore_mem>>
        %dma_start3A = arith.constant 0 : i32
        %dma_start3A_109 = tpu.memref_slice %arg7[%mul3A_108, %dma_start3A] : memref<40000x32xf32, #tpu.memory_space<vmem_shared>> -> memref<400x32xf32, #tpu.memory_space<vmem_shared>>
        %dma_start3A_110 = arith.constant 0 : i32
        %dma_start3A_111 = tpu.memref_slice %arg7[%mul3A_108, %dma_start3A_110] : memref<40000x32xf32, #tpu.memory_space<vmem_shared>> -> memref<400x32xf32, #tpu.memory_space<vmem_shared>>
        tpu.enqueue_dma source(%arg13 : memref<400x32xf32, #tpu.memory_space<vmem>>) target(%dma_start3A_111 : memref<400x32xf32, #tpu.memory_space<vmem_shared>>) target_semaphore(%run_scoped3A : memref<!tpu.dma_semaphore, #tpu.memory_space<semaphore_mem>>)
        %dma_wait3A = arith.constant 0 : i32
        %dma_wait3A_112 = tpu.memref_slice %arg7[%mul3A_108, %dma_wait3A] : memref<40000x32xf32, #tpu.memory_space<vmem_shared>> -> memref<400x32xf32, #tpu.memory_space<vmem_shared>>
        %dma_wait3A_113 = arith.constant 0 : i32
        %dma_wait3A_114 = tpu.memref_slice %arg7[%mul3A_108, %dma_wait3A_113] : memref<40000x32xf32, #tpu.memory_space<vmem_shared>> -> memref<400x32xf32, #tpu.memory_space<vmem_shared>>
        tpu.wait_dma2 semaphore(%run_scoped3A : memref<!tpu.dma_semaphore, #tpu.memory_space<semaphore_mem>>) src(%arg13 : memref<400x32xf32, #tpu.memory_space<vmem>>) dst(%dma_wait3A_114 : memref<400x32xf32, #tpu.memory_space<vmem_shared>>)
        tpu.yield
      }) : () -> ()
    } else {
    }
    %add3A_44 = arith.constant 96 : i32
    %add3A_45 = arith.addi %add3A_44, %arg1 : i32
    %lt3A_46 = arith.constant 100 : i32
    %lt3A_47 = arith.cmpi slt, %add3A_45, %lt3A_46 : i32
    %convert_element_type3A_48 = arith.extui %lt3A_47 : i1 to i32
    %cond3A_49 = arith.constant 0 : i32
    %cond3A_50 = arith.cmpi ne, %convert_element_type3A_48, %cond3A_49 : i32
    scf.if %cond3A_50 {
      %mul3A = arith.constant 400 : i32
      %mul3A_108 = arith.muli %add3A_45, %mul3A : i32
      "tpu.region"() ({
        %run_scoped3A = tpu.sem_alloc : memref<!tpu.dma_semaphore, #tpu.memory_space<semaphore_mem>>
        %dma_start3A = arith.constant 0 : i32
        %dma_start3A_109 = tpu.memref_slice %arg7[%mul3A_108, %dma_start3A] : memref<40000x32xf32, #tpu.memory_space<vmem_shared>> -> memref<400x32xf32, #tpu.memory_space<vmem_shared>>
        %dma_start3A_110 = arith.constant 0 : i32
        %dma_start3A_111 = tpu.memref_slice %arg7[%mul3A_108, %dma_start3A_110] : memref<40000x32xf32, #tpu.memory_space<vmem_shared>> -> memref<400x32xf32, #tpu.memory_space<vmem_shared>>
        tpu.enqueue_dma source(%arg13 : memref<400x32xf32, #tpu.memory_space<vmem>>) target(%dma_start3A_111 : memref<400x32xf32, #tpu.memory_space<vmem_shared>>) target_semaphore(%run_scoped3A : memref<!tpu.dma_semaphore, #tpu.memory_space<semaphore_mem>>)
        %dma_wait3A = arith.constant 0 : i32
        %dma_wait3A_112 = tpu.memref_slice %arg7[%mul3A_108, %dma_wait3A] : memref<40000x32xf32, #tpu.memory_space<vmem_shared>> -> memref<400x32xf32, #tpu.memory_space<vmem_shared>>
        %dma_wait3A_113 = arith.constant 0 : i32
        %dma_wait3A_114 = tpu.memref_slice %arg7[%mul3A_108, %dma_wait3A_113] : memref<40000x32xf32, #tpu.memory_space<vmem_shared>> -> memref<400x32xf32, #tpu.memory_space<vmem_shared>>
        tpu.wait_dma2 semaphore(%run_scoped3A : memref<!tpu.dma_semaphore, #tpu.memory_space<semaphore_mem>>) src(%arg13 : memref<400x32xf32, #tpu.memory_space<vmem>>) dst(%dma_wait3A_114 : memref<400x32xf32, #tpu.memory_space<vmem_shared>>)
        tpu.yield
      }) : () -> ()
    } else {
    }
    %barrier3A = arith.constant 0 : index
    tpu.barrier barrier_id(%barrier3A)
    "tpu.region"() ({
      %run_scoped3A = tpu.sem_alloc : memref<!tpu.dma_semaphore, #tpu.memory_space<semaphore_mem>>
      tpu.enqueue_dma source(%arg5 : memref<10000xi32, #tpu.memory_space<hbm>>) target(%arg8 : memref<10000xi32, #tpu.memory_space<vmem>>) target_semaphore(%run_scoped3A : memref<!tpu.dma_semaphore, #tpu.memory_space<semaphore_mem>>)
      tpu.wait_dma2 semaphore(%run_scoped3A : memref<!tpu.dma_semaphore, #tpu.memory_space<semaphore_mem>>) src(%arg5 : memref<10000xi32, #tpu.memory_space<hbm>>) dst(%arg8 : memref<10000xi32, #tpu.memory_space<vmem>>)
      tpu.yield
    }) : () -> ()
    %scan3A_51 = arith.constant 0 : i32
    %scan3A_52 = arith.constant 0 : i32
    %scan3A_53 = arith.constant 50 : i32
    %scan3A_54 = arith.addi %scan3A_52, %scan3A_53 : i32
    %scan3A_55 = arith.constant 1 : i32
    %scan3A_56 = scf.for %scan3A_108 = %scan3A_52 to %scan3A_54 step %scan3A_55 iter_args(%scan3A_109 = %scan3A_51) -> (i32)  : i32 {
      %mul3A = arith.constant 40000 : i32
      %mul3A_110 = arith.muli %arg1, %mul3A : i32
      %mul3A_111 = arith.constant 800 : i32
      %mul3A_112 = arith.muli %scan3A_108, %mul3A_111 : i32
      %add3A_113 = arith.addi %mul3A_110, %mul3A_112 : i32
      "tpu.region"() ({
        %run_scoped3A_131 = tpu.sem_alloc : memref<!tpu.dma_semaphore, #tpu.memory_space<semaphore_mem>>
        %dma_start3A = tpu.memref_slice %arg3[%add3A_113] : memref<640000xi32, #tpu.memory_space<hbm>> -> memref<800xi32, #tpu.memory_space<hbm>>
        %dma_start3A_132 = tpu.memref_slice %arg3[%add3A_113] : memref<640000xi32, #tpu.memory_space<hbm>> -> memref<800xi32, #tpu.memory_space<hbm>>
        tpu.enqueue_dma source(%dma_start3A_132 : memref<800xi32, #tpu.memory_space<hbm>>) target(%arg9 : memref<800xi32, #tpu.memory_space<vmem>>) target_semaphore(%run_scoped3A_131 : memref<!tpu.dma_semaphore, #tpu.memory_space<semaphore_mem>>)
        %dma_wait3A = tpu.memref_slice %arg3[%add3A_113] : memref<640000xi32, #tpu.memory_space<hbm>> -> memref<800xi32, #tpu.memory_space<hbm>>
        %dma_wait3A_133 = tpu.memref_slice %arg3[%add3A_113] : memref<640000xi32, #tpu.memory_space<hbm>> -> memref<800xi32, #tpu.memory_space<hbm>>
        tpu.wait_dma2 semaphore(%run_scoped3A_131 : memref<!tpu.dma_semaphore, #tpu.memory_space<semaphore_mem>>) src(%dma_wait3A_133 : memref<800xi32, #tpu.memory_space<hbm>>) dst(%arg9 : memref<800xi32, #tpu.memory_space<vmem>>)
        tpu.yield
      }) : () -> ()
      "tpu.region"() ({
        %run_scoped3A_131 = tpu.sem_alloc : memref<!tpu.dma_semaphore, #tpu.memory_space<semaphore_mem>>
        %dma_start3A = tpu.memref_slice %arg4[%add3A_113] : memref<640000xi32, #tpu.memory_space<hbm>> -> memref<800xi32, #tpu.memory_space<hbm>>
        %dma_start3A_132 = tpu.memref_slice %arg4[%add3A_113] : memref<640000xi32, #tpu.memory_space<hbm>> -> memref<800xi32, #tpu.memory_space<hbm>>
        tpu.enqueue_dma source(%dma_start3A_132 : memref<800xi32, #tpu.memory_space<hbm>>) target(%arg10 : memref<800xi32, #tpu.memory_space<vmem>>) target_semaphore(%run_scoped3A_131 : memref<!tpu.dma_semaphore, #tpu.memory_space<semaphore_mem>>)
        %dma_wait3A = tpu.memref_slice %arg4[%add3A_113] : memref<640000xi32, #tpu.memory_space<hbm>> -> memref<800xi32, #tpu.memory_space<hbm>>
        %dma_wait3A_133 = tpu.memref_slice %arg4[%add3A_113] : memref<640000xi32, #tpu.memory_space<hbm>> -> memref<800xi32, #tpu.memory_space<hbm>>
        tpu.wait_dma2 semaphore(%run_scoped3A_131 : memref<!tpu.dma_semaphore, #tpu.memory_space<semaphore_mem>>) src(%dma_wait3A_133 : memref<800xi32, #tpu.memory_space<hbm>>) dst(%arg10 : memref<800xi32, #tpu.memory_space<vmem>>)
        tpu.yield
      }) : () -> ()
      "tpu.region"() ({
        %run_scoped3A_131 = tpu.sem_alloc : memref<!tpu.dma_semaphore, #tpu.memory_space<semaphore_mem>>
        %dma_start3A = arith.constant 0 : i32
        %dma_start3A_132 = tpu.memref_slice %arg2[%add3A_113, %dma_start3A] : memref<640000x32xf32, #tpu.memory_space<hbm>> -> memref<800x32xf32, #tpu.memory_space<hbm>>
        %dma_start3A_133 = arith.constant 0 : i32
        %dma_start3A_134 = tpu.memref_slice %arg2[%add3A_113, %dma_start3A_133] : memref<640000x32xf32, #tpu.memory_space<hbm>> -> memref<800x32xf32, #tpu.memory_space<hbm>>
        tpu.enqueue_dma source(%dma_start3A_134 : memref<800x32xf32, #tpu.memory_space<hbm>>) target(%arg11 : memref<800x32xf32, #tpu.memory_space<vmem>>) target_semaphore(%run_scoped3A_131 : memref<!tpu.dma_semaphore, #tpu.memory_space<semaphore_mem>>)
        %dma_wait3A = arith.constant 0 : i32
        %dma_wait3A_135 = tpu.memref_slice %arg2[%add3A_113, %dma_wait3A] : memref<640000x32xf32, #tpu.memory_space<hbm>> -> memref<800x32xf32, #tpu.memory_space<hbm>>
        %dma_wait3A_136 = arith.constant 0 : i32
        %dma_wait3A_137 = tpu.memref_slice %arg2[%add3A_113, %dma_wait3A_136] : memref<640000x32xf32, #tpu.memory_space<hbm>> -> memref<800x32xf32, #tpu.memory_space<hbm>>
        tpu.wait_dma2 semaphore(%run_scoped3A_131 : memref<!tpu.dma_semaphore, #tpu.memory_space<semaphore_mem>>) src(%dma_wait3A_137 : memref<800x32xf32, #tpu.memory_space<hbm>>) dst(%arg11 : memref<800x32xf32, #tpu.memory_space<vmem>>)
        tpu.yield
      }) : () -> ()
      %scan3A_114 = arith.constant 0 : i32
      %scan3A_115 = arith.constant 0 : i32
      %scan3A_116 = arith.constant 50 : i32
      %scan3A_117 = arith.addi %scan3A_115, %scan3A_116 : i32
      %scan3A_118 = arith.constant 1 : i32
      %scan3A_119 = scf.for %scan3A_131 = %scan3A_115 to %scan3A_117 step %scan3A_118 iter_args(%scan3A_132 = %scan3A_114) -> (i32)  : i32 {
        %mul3A_133 = arith.constant 16 : i32
        %mul3A_134 = arith.muli %scan3A_131, %mul3A_133 : i32
        %get3A = arith.index_cast %mul3A_134 : i32 to index
        %get3A_135 = tpu.vector_load %arg10[%get3A] {strides = array<i32>} : memref<800xi32, #tpu.memory_space<vmem>>, vector<16xi32>,
        %gather3A = tpu.vector_load_idx %arg8[%get3A_135] : memref<10000xi32, #tpu.memory_space<vmem>>[vector<16xi32>], vector<16xi32>,
        %mul3A_136 = arith.constant 16 : i32
        %mul3A_137 = arith.muli %scan3A_131, %mul3A_136 : i32
        %get3A_138 = arith.index_cast %mul3A_137 : i32 to index
        %get3A_139 = tpu.vector_load %arg9[%get3A_138] {strides = array<i32>} : memref<800xi32, #tpu.memory_space<vmem>>, vector<16xi32>,
        %mul3A_140 = arith.constant 4 : i32
        %mul3A_141 = vector.broadcast %mul3A_140 : i32 to vector<16xi32>
        %mul3A_142 = arith.muli %get3A_139, %mul3A_141 : vector<16xi32>
        %add3A_143 = arith.addi %mul3A_142, %gather3A : vector<16xi32>
        %jit3A = arith.constant 5 : i32
        %div3A = arith.divsi %scan3A_131, %jit3A : i32
        %sign3A = arith.constant 0 : i32
        %sign3A_144 = arith.cmpi sgt, %scan3A_131, %sign3A : i32
        %sign3A_145 = arith.extui %sign3A_144 : i1 to i32
        %sign3A_146 = arith.constant 0 : i32
        %sign3A_147 = arith.cmpi slt, %scan3A_131, %sign3A_146 : i32
        %sign3A_148 = arith.extui %sign3A_147 : i1 to i32
        %sign3A_149 = arith.subi %sign3A_145, %sign3A_148 : i32
        %sign3A_150 = arith.constant 0 : i32
        %sign3A_151 = arith.cmpi sgt, %jit3A, %sign3A_150 : i32
        %sign3A_152 = arith.extui %sign3A_151 : i1 to i32
        %sign3A_153 = arith.constant 0 : i32
        %sign3A_154 = arith.cmpi slt, %jit3A, %sign3A_153 : i32
        %sign3A_155 = arith.extui %sign3A_154 : i1 to i32
        %sign3A_156 = arith.subi %sign3A_152, %sign3A_155 : i32
        %ne3A = arith.cmpi ne, %sign3A_149, %sign3A_156 : i32
        %rem3A = arith.remsi %scan3A_131, %jit3A : i32
        %ne3A_157 = arith.constant 0 : i32
        %ne3A_158 = arith.cmpi ne, %rem3A, %ne3A_157 : i32
        %and3A = arith.andi %ne3A, %ne3A_158 : i1
        %sub3A = arith.constant 1 : i32
        %sub3A_159 = arith.subi %div3A, %sub3A : i32
        %select_n3A = arith.select %and3A, %sub3A_159, %div3A : i32
        %jit3A_160 = arith.constant 5 : i32
        %eq3A = arith.constant 0 : i32
        %eq3A_161 = arith.cmpi eq, %jit3A_160, %eq3A : i32
        %jit3A_162 = arith.constant 1 : i32
        %select_n3A_163 = arith.select %eq3A_161, %jit3A_162, %jit3A_160 : i32
        %rem3A_164 = arith.remsi %scan3A_131, %select_n3A_163 : i32
        %ne3A_165 = arith.constant 0 : i32
        %ne3A_166 = arith.cmpi ne, %rem3A_164, %ne3A_165 : i32
        %lt3A_167 = arith.constant 0 : i32
        %lt3A_168 = arith.cmpi slt, %rem3A_164, %lt3A_167 : i32
        %lt3A_169 = arith.constant 0 : i32
        %lt3A_170 = arith.cmpi slt, %select_n3A_163, %lt3A_169 : i32
        %ne3A_171 = arith.xori %lt3A_168, %lt3A_170 : i1
        %and3A_172 = arith.andi %ne3A_171, %ne3A_166 : i1
        %add3A_173 = arith.addi %rem3A_164, %select_n3A_163 : i32
        %select_n3A_174 = arith.select %and3A_172, %add3A_173, %rem3A_164 : i32
        %mul3A_175 = arith.constant 16 : i32
        %mul3A_176 = arith.muli %select_n3A_174, %mul3A_175 : i32
        %swap3A = arith.index_cast %select_n3A : i32 to index
        %swap3A_177 = arith.index_cast %mul3A_176 : i32 to index
        %swap3A_178 = tpu.vector_load %arg12[%swap3A, %swap3A_177] {strides = array<i32>} : memref<10x80xi32, #tpu.memory_space<vmem>>, vector<16xi32>,
        tpu.vector_store %arg12[%swap3A, %swap3A_177], %add3A_143 {strides = array<i32>} : memref<10x80xi32, #tpu.memory_space<vmem>>, vector<16xi32>,
        %scan3A_179 = arith.constant 0 : i32
        scf.yield %scan3A_179 : i32
      }
      %scan3A_120 = arith.constant 50 : i32
      %run_scoped3A = arith.constant 0 : i32
      "tpu.region"() ({
        %run_scoped3A_131 = tpu.sem_alloc : memref<!tpu.dma_semaphore, #tpu.memory_space<semaphore_mem>>
        %dma_start3A = arith.constant 0 : i32
        %dma_start3A_132 = arith.constant 0 : i32
        %dma_start3A_133 = tpu.memref_slice %arg11[%dma_start3A, %dma_start3A_132] : memref<800x32xf32, #tpu.memory_space<vmem>> -> memref<80x32xf32, #tpu.memory_space<vmem>>
        %dma_start3A_134 = arith.constant 0 : i32
        %dma_start3A_135 = tpu.memref_slice %arg12[%run_scoped3A, %dma_start3A_134] : memref<10x80xi32, #tpu.memory_space<vmem>> -> memref<1x80xi32, #tpu.memory_space<vmem>>
        %dma_start3A_136 = tpu.memref_squeeze %dma_start3A_135 : memref<1x80xi32, #tpu.memory_space<vmem>> -> memref<80xi32, #tpu.memory_space<vmem>>
        %dma_start3A_137 = arith.constant 0 : i32
        %dma_start3A_138 = arith.constant 0 : i32
        %dma_start3A_139 = tpu.memref_slice %arg7[%dma_start3A_137, %dma_start3A_138] : memref<40000x32xf32, #tpu.memory_space<vmem_shared>> -> memref<40000x32xf32, #tpu.memory_space<vmem_shared>>
        tpu.enqueue_indirect_dma source(%dma_start3A_133 : memref<80x32xf32, #tpu.memory_space<vmem>>) target(%dma_start3A_139 : memref<40000x32xf32, #tpu.memory_space<vmem_shared>>) offsets(%dma_start3A_136 : memref<80xi32, #tpu.memory_space<vmem>>) semaphore(%run_scoped3A_131 : memref<!tpu.dma_semaphore, #tpu.memory_space<semaphore_mem>>) {add = true}
        %dma_wait3A = arith.constant 0 : i32
        %dma_wait3A_140 = arith.constant 0 : i32
        %dma_wait3A_141 = tpu.memref_slice %arg11[%dma_wait3A, %dma_wait3A_140] : memref<800x32xf32, #tpu.memory_space<vmem>> -> memref<80x32xf32, #tpu.memory_space<vmem>>
        %dma_wait3A_142 = arith.constant 0 : i32
        %dma_wait3A_143 = tpu.memref_slice %arg12[%run_scoped3A, %dma_wait3A_142] : memref<10x80xi32, #tpu.memory_space<vmem>> -> memref<1x80xi32, #tpu.memory_space<vmem>>
        %dma_wait3A_144 = tpu.memref_squeeze %dma_wait3A_143 : memref<1x80xi32, #tpu.memory_space<vmem>> -> memref<80xi32, #tpu.memory_space<vmem>>
        %dma_wait3A_145 = arith.constant 0 : i32
        %dma_wait3A_146 = arith.constant 0 : i32
        %dma_wait3A_147 = tpu.memref_slice %arg7[%dma_wait3A_145, %dma_wait3A_146] : memref<40000x32xf32, #tpu.memory_space<vmem_shared>> -> memref<40000x32xf32, #tpu.memory_space<vmem_shared>>
        tpu.wait_indirect_dma semaphore(%run_scoped3A_131 : memref<!tpu.dma_semaphore, #tpu.memory_space<semaphore_mem>>) src(%dma_wait3A_141 : memref<80x32xf32, #tpu.memory_space<vmem>>) dst(%dma_wait3A_147 : memref<40000x32xf32, #tpu.memory_space<vmem_shared>>)
        tpu.yield
      }) : () -> ()
      %run_scoped3A_121 = arith.constant 1 : i32
      "tpu.region"() ({
        %run_scoped3A_131 = tpu.sem_alloc : memref<!tpu.dma_semaphore, #tpu.memory_space<semaphore_mem>>
        %dma_start3A = arith.constant 80 : i32
        %dma_start3A_132 = arith.constant 0 : i32
        %dma_start3A_133 = tpu.memref_slice %arg11[%dma_start3A, %dma_start3A_132] : memref<800x32xf32, #tpu.memory_space<vmem>> -> memref<80x32xf32, #tpu.memory_space<vmem>>
        %dma_start3A_134 = arith.constant 0 : i32
        %dma_start3A_135 = tpu.memref_slice %arg12[%run_scoped3A_121, %dma_start3A_134] : memref<10x80xi32, #tpu.memory_space<vmem>> -> memref<1x80xi32, #tpu.memory_space<vmem>>
        %dma_start3A_136 = tpu.memref_squeeze %dma_start3A_135 : memref<1x80xi32, #tpu.memory_space<vmem>> -> memref<80xi32, #tpu.memory_space<vmem>>
        %dma_start3A_137 = arith.constant 0 : i32
        %dma_start3A_138 = arith.constant 0 : i32
        %dma_start3A_139 = tpu.memref_slice %arg7[%dma_start3A_137, %dma_start3A_138] : memref<40000x32xf32, #tpu.memory_space<vmem_shared>> -> memref<40000x32xf32, #tpu.memory_space<vmem_shared>>
        tpu.enqueue_indirect_dma source(%dma_start3A_133 : memref<80x32xf32, #tpu.memory_space<vmem>>) target(%dma_start3A_139 : memref<40000x32xf32, #tpu.memory_space<vmem_shared>>) offsets(%dma_start3A_136 : memref<80xi32, #tpu.memory_space<vmem>>) semaphore(%run_scoped3A_131 : memref<!tpu.dma_semaphore, #tpu.memory_space<semaphore_mem>>) {add = true}
        %dma_wait3A = arith.constant 80 : i32
        %dma_wait3A_140 = arith.constant 0 : i32
        %dma_wait3A_141 = tpu.memref_slice %arg11[%dma_wait3A, %dma_wait3A_140] : memref<800x32xf32, #tpu.memory_space<vmem>> -> memref<80x32xf32, #tpu.memory_space<vmem>>
        %dma_wait3A_142 = arith.constant 0 : i32
        %dma_wait3A_143 = tpu.memref_slice %arg12[%run_scoped3A_121, %dma_wait3A_142] : memref<10x80xi32, #tpu.memory_space<vmem>> -> memref<1x80xi32, #tpu.memory_space<vmem>>
        %dma_wait3A_144 = tpu.memref_squeeze %dma_wait3A_143 : memref<1x80xi32, #tpu.memory_space<vmem>> -> memref<80xi32, #tpu.memory_space<vmem>>
        %dma_wait3A_145 = arith.constant 0 : i32
        %dma_wait3A_146 = arith.constant 0 : i32
        %dma_wait3A_147 = tpu.memref_slice %arg7[%dma_wait3A_145, %dma_wait3A_146] : memref<40000x32xf32, #tpu.memory_space<vmem_shared>> -> memref<40000x32xf32, #tpu.memory_space<vmem_shared>>
        tpu.wait_indirect_dma semaphore(%run_scoped3A_131 : memref<!tpu.dma_semaphore, #tpu.memory_space<semaphore_mem>>) src(%dma_wait3A_141 : memref<80x32xf32, #tpu.memory_space<vmem>>) dst(%dma_wait3A_147 : memref<40000x32xf32, #tpu.memory_space<vmem_shared>>)
        tpu.yield
      }) : () -> ()
      %run_scoped3A_122 = arith.constant 2 : i32
      "tpu.region"() ({
        %run_scoped3A_131 = tpu.sem_alloc : memref<!tpu.dma_semaphore, #tpu.memory_space<semaphore_mem>>
        %dma_start3A = arith.constant 160 : i32
        %dma_start3A_132 = arith.constant 0 : i32
        %dma_start3A_133 = tpu.memref_slice %arg11[%dma_start3A, %dma_start3A_132] : memref<800x32xf32, #tpu.memory_space<vmem>> -> memref<80x32xf32, #tpu.memory_space<vmem>>
        %dma_start3A_134 = arith.constant 0 : i32
        %dma_start3A_135 = tpu.memref_slice %arg12[%run_scoped3A_122, %dma_start3A_134] : memref<10x80xi32, #tpu.memory_space<vmem>> -> memref<1x80xi32, #tpu.memory_space<vmem>>
        %dma_start3A_136 = tpu.memref_squeeze %dma_start3A_135 : memref<1x80xi32, #tpu.memory_space<vmem>> -> memref<80xi32, #tpu.memory_space<vmem>>
        %dma_start3A_137 = arith.constant 0 : i32
        %dma_start3A_138 = arith.constant 0 : i32
        %dma_start3A_139 = tpu.memref_slice %arg7[%dma_start3A_137, %dma_start3A_138] : memref<40000x32xf32, #tpu.memory_space<vmem_shared>> -> memref<40000x32xf32, #tpu.memory_space<vmem_shared>>
        tpu.enqueue_indirect_dma source(%dma_start3A_133 : memref<80x32xf32, #tpu.memory_space<vmem>>) target(%dma_start3A_139 : memref<40000x32xf32, #tpu.memory_space<vmem_shared>>) offsets(%dma_start3A_136 : memref<80xi32, #tpu.memory_space<vmem>>) semaphore(%run_scoped3A_131 : memref<!tpu.dma_semaphore, #tpu.memory_space<semaphore_mem>>) {add = true}
        %dma_wait3A = arith.constant 160 : i32
        %dma_wait3A_140 = arith.constant 0 : i32
        %dma_wait3A_141 = tpu.memref_slice %arg11[%dma_wait3A, %dma_wait3A_140] : memref<800x32xf32, #tpu.memory_space<vmem>> -> memref<80x32xf32, #tpu.memory_space<vmem>>
        %dma_wait3A_142 = arith.constant 0 : i32
        %dma_wait3A_143 = tpu.memref_slice %arg12[%run_scoped3A_122, %dma_wait3A_142] : memref<10x80xi32, #tpu.memory_space<vmem>> -> memref<1x80xi32, #tpu.memory_space<vmem>>
        %dma_wait3A_144 = tpu.memref_squeeze %dma_wait3A_143 : memref<1x80xi32, #tpu.memory_space<vmem>> -> memref<80xi32, #tpu.memory_space<vmem>>
        %dma_wait3A_145 = arith.constant 0 : i32
        %dma_wait3A_146 = arith.constant 0 : i32
        %dma_wait3A_147 = tpu.memref_slice %arg7[%dma_wait3A_145, %dma_wait3A_146] : memref<40000x32xf32, #tpu.memory_space<vmem_shared>> -> memref<40000x32xf32, #tpu.memory_space<vmem_shared>>
        tpu.wait_indirect_dma semaphore(%run_scoped3A_131 : memref<!tpu.dma_semaphore, #tpu.memory_space<semaphore_mem>>) src(%dma_wait3A_141 : memref<80x32xf32, #tpu.memory_space<vmem>>) dst(%dma_wait3A_147 : memref<40000x32xf32, #tpu.memory_space<vmem_shared>>)
        tpu.yield
      }) : () -> ()
      %run_scoped3A_123 = arith.constant 3 : i32
      "tpu.region"() ({
        %run_scoped3A_131 = tpu.sem_alloc : memref<!tpu.dma_semaphore, #tpu.memory_space<semaphore_mem>>
        %dma_start3A = arith.constant 240 : i32
        %dma_start3A_132 = arith.constant 0 : i32
        %dma_start3A_133 = tpu.memref_slice %arg11[%dma_start3A, %dma_start3A_132] : memref<800x32xf32, #tpu.memory_space<vmem>> -> memref<80x32xf32, #tpu.memory_space<vmem>>
        %dma_start3A_134 = arith.constant 0 : i32
        %dma_start3A_135 = tpu.memref_slice %arg12[%run_scoped3A_123, %dma_start3A_134] : memref<10x80xi32, #tpu.memory_space<vmem>> -> memref<1x80xi32, #tpu.memory_space<vmem>>
        %dma_start3A_136 = tpu.memref_squeeze %dma_start3A_135 : memref<1x80xi32, #tpu.memory_space<vmem>> -> memref<80xi32, #tpu.memory_space<vmem>>
        %dma_start3A_137 = arith.constant 0 : i32
        %dma_start3A_138 = arith.constant 0 : i32
        %dma_start3A_139 = tpu.memref_slice %arg7[%dma_start3A_137, %dma_start3A_138] : memref<40000x32xf32, #tpu.memory_space<vmem_shared>> -> memref<40000x32xf32, #tpu.memory_space<vmem_shared>>
        tpu.enqueue_indirect_dma source(%dma_start3A_133 : memref<80x32xf32, #tpu.memory_space<vmem>>) target(%dma_start3A_139 : memref<40000x32xf32, #tpu.memory_space<vmem_shared>>) offsets(%dma_start3A_136 : memref<80xi32, #tpu.memory_space<vmem>>) semaphore(%run_scoped3A_131 : memref<!tpu.dma_semaphore, #tpu.memory_space<semaphore_mem>>) {add = true}
        %dma_wait3A = arith.constant 240 : i32
        %dma_wait3A_140 = arith.constant 0 : i32
        %dma_wait3A_141 = tpu.memref_slice %arg11[%dma_wait3A, %dma_wait3A_140] : memref<800x32xf32, #tpu.memory_space<vmem>> -> memref<80x32xf32, #tpu.memory_space<vmem>>
        %dma_wait3A_142 = arith.constant 0 : i32
        %dma_wait3A_143 = tpu.memref_slice %arg12[%run_scoped3A_123, %dma_wait3A_142] : memref<10x80xi32, #tpu.memory_space<vmem>> -> memref<1x80xi32, #tpu.memory_space<vmem>>
        %dma_wait3A_144 = tpu.memref_squeeze %dma_wait3A_143 : memref<1x80xi32, #tpu.memory_space<vmem>> -> memref<80xi32, #tpu.memory_space<vmem>>
        %dma_wait3A_145 = arith.constant 0 : i32
        %dma_wait3A_146 = arith.constant 0 : i32
        %dma_wait3A_147 = tpu.memref_slice %arg7[%dma_wait3A_145, %dma_wait3A_146] : memref<40000x32xf32, #tpu.memory_space<vmem_shared>> -> memref<40000x32xf32, #tpu.memory_space<vmem_shared>>
        tpu.wait_indirect_dma semaphore(%run_scoped3A_131 : memref<!tpu.dma_semaphore, #tpu.memory_space<semaphore_mem>>) src(%dma_wait3A_141 : memref<80x32xf32, #tpu.memory_space<vmem>>) dst(%dma_wait3A_147 : memref<40000x32xf32, #tpu.memory_space<vmem_shared>>)
        tpu.yield
      }) : () -> ()
      %run_scoped3A_124 = arith.constant 4 : i32
      "tpu.region"() ({
        %run_scoped3A_131 = tpu.sem_alloc : memref<!tpu.dma_semaphore, #tpu.memory_space<semaphore_mem>>
        %dma_start3A = arith.constant 320 : i32
        %dma_start3A_132 = arith.constant 0 : i32
        %dma_start3A_133 = tpu.memref_slice %arg11[%dma_start3A, %dma_start3A_132] : memref<800x32xf32, #tpu.memory_space<vmem>> -> memref<80x32xf32, #tpu.memory_space<vmem>>
        %dma_start3A_134 = arith.constant 0 : i32
        %dma_start3A_135 = tpu.memref_slice %arg12[%run_scoped3A_124, %dma_start3A_134] : memref<10x80xi32, #tpu.memory_space<vmem>> -> memref<1x80xi32, #tpu.memory_space<vmem>>
        %dma_start3A_136 = tpu.memref_squeeze %dma_start3A_135 : memref<1x80xi32, #tpu.memory_space<vmem>> -> memref<80xi32, #tpu.memory_space<vmem>>
        %dma_start3A_137 = arith.constant 0 : i32
        %dma_start3A_138 = arith.constant 0 : i32
        %dma_start3A_139 = tpu.memref_slice %arg7[%dma_start3A_137, %dma_start3A_138] : memref<40000x32xf32, #tpu.memory_space<vmem_shared>> -> memref<40000x32xf32, #tpu.memory_space<vmem_shared>>
        tpu.enqueue_indirect_dma source(%dma_start3A_133 : memref<80x32xf32, #tpu.memory_space<vmem>>) target(%dma_start3A_139 : memref<40000x32xf32, #tpu.memory_space<vmem_shared>>) offsets(%dma_start3A_136 : memref<80xi32, #tpu.memory_space<vmem>>) semaphore(%run_scoped3A_131 : memref<!tpu.dma_semaphore, #tpu.memory_space<semaphore_mem>>) {add = true}
        %dma_wait3A = arith.constant 320 : i32
        %dma_wait3A_140 = arith.constant 0 : i32
        %dma_wait3A_141 = tpu.memref_slice %arg11[%dma_wait3A, %dma_wait3A_140] : memref<800x32xf32, #tpu.memory_space<vmem>> -> memref<80x32xf32, #tpu.memory_space<vmem>>
        %dma_wait3A_142 = arith.constant 0 : i32
        %dma_wait3A_143 = tpu.memref_slice %arg12[%run_scoped3A_124, %dma_wait3A_142] : memref<10x80xi32, #tpu.memory_space<vmem>> -> memref<1x80xi32, #tpu.memory_space<vmem>>
        %dma_wait3A_144 = tpu.memref_squeeze %dma_wait3A_143 : memref<1x80xi32, #tpu.memory_space<vmem>> -> memref<80xi32, #tpu.memory_space<vmem>>
        %dma_wait3A_145 = arith.constant 0 : i32
        %dma_wait3A_146 = arith.constant 0 : i32
        %dma_wait3A_147 = tpu.memref_slice %arg7[%dma_wait3A_145, %dma_wait3A_146] : memref<40000x32xf32, #tpu.memory_space<vmem_shared>> -> memref<40000x32xf32, #tpu.memory_space<vmem_shared>>
        tpu.wait_indirect_dma semaphore(%run_scoped3A_131 : memref<!tpu.dma_semaphore, #tpu.memory_space<semaphore_mem>>) src(%dma_wait3A_141 : memref<80x32xf32, #tpu.memory_space<vmem>>) dst(%dma_wait3A_147 : memref<40000x32xf32, #tpu.memory_space<vmem_shared>>)
        tpu.yield
      }) : () -> ()
      %run_scoped3A_125 = arith.constant 5 : i32
      "tpu.region"() ({
        %run_scoped3A_131 = tpu.sem_alloc : memref<!tpu.dma_semaphore, #tpu.memory_space<semaphore_mem>>
        %dma_start3A = arith.constant 400 : i32
        %dma_start3A_132 = arith.constant 0 : i32
        %dma_start3A_133 = tpu.memref_slice %arg11[%dma_start3A, %dma_start3A_132] : memref<800x32xf32, #tpu.memory_space<vmem>> -> memref<80x32xf32, #tpu.memory_space<vmem>>
        %dma_start3A_134 = arith.constant 0 : i32
        %dma_start3A_135 = tpu.memref_slice %arg12[%run_scoped3A_125, %dma_start3A_134] : memref<10x80xi32, #tpu.memory_space<vmem>> -> memref<1x80xi32, #tpu.memory_space<vmem>>
        %dma_start3A_136 = tpu.memref_squeeze %dma_start3A_135 : memref<1x80xi32, #tpu.memory_space<vmem>> -> memref<80xi32, #tpu.memory_space<vmem>>
        %dma_start3A_137 = arith.constant 0 : i32
        %dma_start3A_138 = arith.constant 0 : i32
        %dma_start3A_139 = tpu.memref_slice %arg7[%dma_start3A_137, %dma_start3A_138] : memref<40000x32xf32, #tpu.memory_space<vmem_shared>> -> memref<40000x32xf32, #tpu.memory_space<vmem_shared>>
        tpu.enqueue_indirect_dma source(%dma_start3A_133 : memref<80x32xf32, #tpu.memory_space<vmem>>) target(%dma_start3A_139 : memref<40000x32xf32, #tpu.memory_space<vmem_shared>>) offsets(%dma_start3A_136 : memref<80xi32, #tpu.memory_space<vmem>>) semaphore(%run_scoped3A_131 : memref<!tpu.dma_semaphore, #tpu.memory_space<semaphore_mem>>) {add = true}
        %dma_wait3A = arith.constant 400 : i32
        %dma_wait3A_140 = arith.constant 0 : i32
        %dma_wait3A_141 = tpu.memref_slice %arg11[%dma_wait3A, %dma_wait3A_140] : memref<800x32xf32, #tpu.memory_space<vmem>> -> memref<80x32xf32, #tpu.memory_space<vmem>>
        %dma_wait3A_142 = arith.constant 0 : i32
        %dma_wait3A_143 = tpu.memref_slice %arg12[%run_scoped3A_125, %dma_wait3A_142] : memref<10x80xi32, #tpu.memory_space<vmem>> -> memref<1x80xi32, #tpu.memory_space<vmem>>
        %dma_wait3A_144 = tpu.memref_squeeze %dma_wait3A_143 : memref<1x80xi32, #tpu.memory_space<vmem>> -> memref<80xi32, #tpu.memory_space<vmem>>
        %dma_wait3A_145 = arith.constant 0 : i32
        %dma_wait3A_146 = arith.constant 0 : i32
        %dma_wait3A_147 = tpu.memref_slice %arg7[%dma_wait3A_145, %dma_wait3A_146] : memref<40000x32xf32, #tpu.memory_space<vmem_shared>> -> memref<40000x32xf32, #tpu.memory_space<vmem_shared>>
        tpu.wait_indirect_dma semaphore(%run_scoped3A_131 : memref<!tpu.dma_semaphore, #tpu.memory_space<semaphore_mem>>) src(%dma_wait3A_141 : memref<80x32xf32, #tpu.memory_space<vmem>>) dst(%dma_wait3A_147 : memref<40000x32xf32, #tpu.memory_space<vmem_shared>>)
        tpu.yield
      }) : () -> ()
      %run_scoped3A_126 = arith.constant 6 : i32
      "tpu.region"() ({
        %run_scoped3A_131 = tpu.sem_alloc : memref<!tpu.dma_semaphore, #tpu.memory_space<semaphore_mem>>
        %dma_start3A = arith.constant 480 : i32
        %dma_start3A_132 = arith.constant 0 : i32
        %dma_start3A_133 = tpu.memref_slice %arg11[%dma_start3A, %dma_start3A_132] : memref<800x32xf32, #tpu.memory_space<vmem>> -> memref<80x32xf32, #tpu.memory_space<vmem>>
        %dma_start3A_134 = arith.constant 0 : i32
        %dma_start3A_135 = tpu.memref_slice %arg12[%run_scoped3A_126, %dma_start3A_134] : memref<10x80xi32, #tpu.memory_space<vmem>> -> memref<1x80xi32, #tpu.memory_space<vmem>>
        %dma_start3A_136 = tpu.memref_squeeze %dma_start3A_135 : memref<1x80xi32, #tpu.memory_space<vmem>> -> memref<80xi32, #tpu.memory_space<vmem>>
        %dma_start3A_137 = arith.constant 0 : i32
        %dma_start3A_138 = arith.constant 0 : i32
        %dma_start3A_139 = tpu.memref_slice %arg7[%dma_start3A_137, %dma_start3A_138] : memref<40000x32xf32, #tpu.memory_space<vmem_shared>> -> memref<40000x32xf32, #tpu.memory_space<vmem_shared>>
        tpu.enqueue_indirect_dma source(%dma_start3A_133 : memref<80x32xf32, #tpu.memory_space<vmem>>) target(%dma_start3A_139 : memref<40000x32xf32, #tpu.memory_space<vmem_shared>>) offsets(%dma_start3A_136 : memref<80xi32, #tpu.memory_space<vmem>>) semaphore(%run_scoped3A_131 : memref<!tpu.dma_semaphore, #tpu.memory_space<semaphore_mem>>) {add = true}
        %dma_wait3A = arith.constant 480 : i32
        %dma_wait3A_140 = arith.constant 0 : i32
        %dma_wait3A_141 = tpu.memref_slice %arg11[%dma_wait3A, %dma_wait3A_140] : memref<800x32xf32, #tpu.memory_space<vmem>> -> memref<80x32xf32, #tpu.memory_space<vmem>>
        %dma_wait3A_142 = arith.constant 0 : i32
        %dma_wait3A_143 = tpu.memref_slice %arg12[%run_scoped3A_126, %dma_wait3A_142] : memref<10x80xi32, #tpu.memory_space<vmem>> -> memref<1x80xi32, #tpu.memory_space<vmem>>
        %dma_wait3A_144 = tpu.memref_squeeze %dma_wait3A_143 : memref<1x80xi32, #tpu.memory_space<vmem>> -> memref<80xi32, #tpu.memory_space<vmem>>
        %dma_wait3A_145 = arith.constant 0 : i32
        %dma_wait3A_146 = arith.constant 0 : i32
        %dma_wait3A_147 = tpu.memref_slice %arg7[%dma_wait3A_145, %dma_wait3A_146] : memref<40000x32xf32, #tpu.memory_space<vmem_shared>> -> memref<40000x32xf32, #tpu.memory_space<vmem_shared>>
        tpu.wait_indirect_dma semaphore(%run_scoped3A_131 : memref<!tpu.dma_semaphore, #tpu.memory_space<semaphore_mem>>) src(%dma_wait3A_141 : memref<80x32xf32, #tpu.memory_space<vmem>>) dst(%dma_wait3A_147 : memref<40000x32xf32, #tpu.memory_space<vmem_shared>>)
        tpu.yield
      }) : () -> ()
      %run_scoped3A_127 = arith.constant 7 : i32
      "tpu.region"() ({
        %run_scoped3A_131 = tpu.sem_alloc : memref<!tpu.dma_semaphore, #tpu.memory_space<semaphore_mem>>
        %dma_start3A = arith.constant 560 : i32
        %dma_start3A_132 = arith.constant 0 : i32
        %dma_start3A_133 = tpu.memref_slice %arg11[%dma_start3A, %dma_start3A_132] : memref<800x32xf32, #tpu.memory_space<vmem>> -> memref<80x32xf32, #tpu.memory_space<vmem>>
        %dma_start3A_134 = arith.constant 0 : i32
        %dma_start3A_135 = tpu.memref_slice %arg12[%run_scoped3A_127, %dma_start3A_134] : memref<10x80xi32, #tpu.memory_space<vmem>> -> memref<1x80xi32, #tpu.memory_space<vmem>>
        %dma_start3A_136 = tpu.memref_squeeze %dma_start3A_135 : memref<1x80xi32, #tpu.memory_space<vmem>> -> memref<80xi32, #tpu.memory_space<vmem>>
        %dma_start3A_137 = arith.constant 0 : i32
        %dma_start3A_138 = arith.constant 0 : i32
        %dma_start3A_139 = tpu.memref_slice %arg7[%dma_start3A_137, %dma_start3A_138] : memref<40000x32xf32, #tpu.memory_space<vmem_shared>> -> memref<40000x32xf32, #tpu.memory_space<vmem_shared>>
        tpu.enqueue_indirect_dma source(%dma_start3A_133 : memref<80x32xf32, #tpu.memory_space<vmem>>) target(%dma_start3A_139 : memref<40000x32xf32, #tpu.memory_space<vmem_shared>>) offsets(%dma_start3A_136 : memref<80xi32, #tpu.memory_space<vmem>>) semaphore(%run_scoped3A_131 : memref<!tpu.dma_semaphore, #tpu.memory_space<semaphore_mem>>) {add = true}
        %dma_wait3A = arith.constant 560 : i32
        %dma_wait3A_140 = arith.constant 0 : i32
        %dma_wait3A_141 = tpu.memref_slice %arg11[%dma_wait3A, %dma_wait3A_140] : memref<800x32xf32, #tpu.memory_space<vmem>> -> memref<80x32xf32, #tpu.memory_space<vmem>>
        %dma_wait3A_142 = arith.constant 0 : i32
        %dma_wait3A_143 = tpu.memref_slice %arg12[%run_scoped3A_127, %dma_wait3A_142] : memref<10x80xi32, #tpu.memory_space<vmem>> -> memref<1x80xi32, #tpu.memory_space<vmem>>
        %dma_wait3A_144 = tpu.memref_squeeze %dma_wait3A_143 : memref<1x80xi32, #tpu.memory_space<vmem>> -> memref<80xi32, #tpu.memory_space<vmem>>
        %dma_wait3A_145 = arith.constant 0 : i32
        %dma_wait3A_146 = arith.constant 0 : i32
        %dma_wait3A_147 = tpu.memref_slice %arg7[%dma_wait3A_145, %dma_wait3A_146] : memref<40000x32xf32, #tpu.memory_space<vmem_shared>> -> memref<40000x32xf32, #tpu.memory_space<vmem_shared>>
        tpu.wait_indirect_dma semaphore(%run_scoped3A_131 : memref<!tpu.dma_semaphore, #tpu.memory_space<semaphore_mem>>) src(%dma_wait3A_141 : memref<80x32xf32, #tpu.memory_space<vmem>>) dst(%dma_wait3A_147 : memref<40000x32xf32, #tpu.memory_space<vmem_shared>>)
        tpu.yield
      }) : () -> ()
      %run_scoped3A_128 = arith.constant 8 : i32
      "tpu.region"() ({
        %run_scoped3A_131 = tpu.sem_alloc : memref<!tpu.dma_semaphore, #tpu.memory_space<semaphore_mem>>
        %dma_start3A = arith.constant 640 : i32
        %dma_start3A_132 = arith.constant 0 : i32
        %dma_start3A_133 = tpu.memref_slice %arg11[%dma_start3A, %dma_start3A_132] : memref<800x32xf32, #tpu.memory_space<vmem>> -> memref<80x32xf32, #tpu.memory_space<vmem>>
        %dma_start3A_134 = arith.constant 0 : i32
        %dma_start3A_135 = tpu.memref_slice %arg12[%run_scoped3A_128, %dma_start3A_134] : memref<10x80xi32, #tpu.memory_space<vmem>> -> memref<1x80xi32, #tpu.memory_space<vmem>>
        %dma_start3A_136 = tpu.memref_squeeze %dma_start3A_135 : memref<1x80xi32, #tpu.memory_space<vmem>> -> memref<80xi32, #tpu.memory_space<vmem>>
        %dma_start3A_137 = arith.constant 0 : i32
        %dma_start3A_138 = arith.constant 0 : i32
        %dma_start3A_139 = tpu.memref_slice %arg7[%dma_start3A_137, %dma_start3A_138] : memref<40000x32xf32, #tpu.memory_space<vmem_shared>> -> memref<40000x32xf32, #tpu.memory_space<vmem_shared>>
        tpu.enqueue_indirect_dma source(%dma_start3A_133 : memref<80x32xf32, #tpu.memory_space<vmem>>) target(%dma_start3A_139 : memref<40000x32xf32, #tpu.memory_space<vmem_shared>>) offsets(%dma_start3A_136 : memref<80xi32, #tpu.memory_space<vmem>>) semaphore(%run_scoped3A_131 : memref<!tpu.dma_semaphore, #tpu.memory_space<semaphore_mem>>) {add = true}
        %dma_wait3A = arith.constant 640 : i32
        %dma_wait3A_140 = arith.constant 0 : i32
        %dma_wait3A_141 = tpu.memref_slice %arg11[%dma_wait3A, %dma_wait3A_140] : memref<800x32xf32, #tpu.memory_space<vmem>> -> memref<80x32xf32, #tpu.memory_space<vmem>>
        %dma_wait3A_142 = arith.constant 0 : i32
        %dma_wait3A_143 = tpu.memref_slice %arg12[%run_scoped3A_128, %dma_wait3A_142] : memref<10x80xi32, #tpu.memory_space<vmem>> -> memref<1x80xi32, #tpu.memory_space<vmem>>
        %dma_wait3A_144 = tpu.memref_squeeze %dma_wait3A_143 : memref<1x80xi32, #tpu.memory_space<vmem>> -> memref<80xi32, #tpu.memory_space<vmem>>
        %dma_wait3A_145 = arith.constant 0 : i32
        %dma_wait3A_146 = arith.constant 0 : i32
        %dma_wait3A_147 = tpu.memref_slice %arg7[%dma_wait3A_145, %dma_wait3A_146] : memref<40000x32xf32, #tpu.memory_space<vmem_shared>> -> memref<40000x32xf32, #tpu.memory_space<vmem_shared>>
        tpu.wait_indirect_dma semaphore(%run_scoped3A_131 : memref<!tpu.dma_semaphore, #tpu.memory_space<semaphore_mem>>) src(%dma_wait3A_141 : memref<80x32xf32, #tpu.memory_space<vmem>>) dst(%dma_wait3A_147 : memref<40000x32xf32, #tpu.memory_space<vmem_shared>>)
        tpu.yield
      }) : () -> ()
      %run_scoped3A_129 = arith.constant 9 : i32
      "tpu.region"() ({
        %run_scoped3A_131 = tpu.sem_alloc : memref<!tpu.dma_semaphore, #tpu.memory_space<semaphore_mem>>
        %dma_start3A = arith.constant 720 : i32
        %dma_start3A_132 = arith.constant 0 : i32
        %dma_start3A_133 = tpu.memref_slice %arg11[%dma_start3A, %dma_start3A_132] : memref<800x32xf32, #tpu.memory_space<vmem>> -> memref<80x32xf32, #tpu.memory_space<vmem>>
        %dma_start3A_134 = arith.constant 0 : i32
        %dma_start3A_135 = tpu.memref_slice %arg12[%run_scoped3A_129, %dma_start3A_134] : memref<10x80xi32, #tpu.memory_space<vmem>> -> memref<1x80xi32, #tpu.memory_space<vmem>>
        %dma_start3A_136 = tpu.memref_squeeze %dma_start3A_135 : memref<1x80xi32, #tpu.memory_space<vmem>> -> memref<80xi32, #tpu.memory_space<vmem>>
        %dma_start3A_137 = arith.constant 0 : i32
        %dma_start3A_138 = arith.constant 0 : i32
        %dma_start3A_139 = tpu.memref_slice %arg7[%dma_start3A_137, %dma_start3A_138] : memref<40000x32xf32, #tpu.memory_space<vmem_shared>> -> memref<40000x32xf32, #tpu.memory_space<vmem_shared>>
        tpu.enqueue_indirect_dma source(%dma_start3A_133 : memref<80x32xf32, #tpu.memory_space<vmem>>) target(%dma_start3A_139 : memref<40000x32xf32, #tpu.memory_space<vmem_shared>>) offsets(%dma_start3A_136 : memref<80xi32, #tpu.memory_space<vmem>>) semaphore(%run_scoped3A_131 : memref<!tpu.dma_semaphore, #tpu.memory_space<semaphore_mem>>) {add = true}
        %dma_wait3A = arith.constant 720 : i32
        %dma_wait3A_140 = arith.constant 0 : i32
        %dma_wait3A_141 = tpu.memref_slice %arg11[%dma_wait3A, %dma_wait3A_140] : memref<800x32xf32, #tpu.memory_space<vmem>> -> memref<80x32xf32, #tpu.memory_space<vmem>>
        %dma_wait3A_142 = arith.constant 0 : i32
        %dma_wait3A_143 = tpu.memref_slice %arg12[%run_scoped3A_129, %dma_wait3A_142] : memref<10x80xi32, #tpu.memory_space<vmem>> -> memref<1x80xi32, #tpu.memory_space<vmem>>
        %dma_wait3A_144 = tpu.memref_squeeze %dma_wait3A_143 : memref<1x80xi32, #tpu.memory_space<vmem>> -> memref<80xi32, #tpu.memory_space<vmem>>
        %dma_wait3A_145 = arith.constant 0 : i32
        %dma_wait3A_146 = arith.constant 0 : i32
        %dma_wait3A_147 = tpu.memref_slice %arg7[%dma_wait3A_145, %dma_wait3A_146] : memref<40000x32xf32, #tpu.memory_space<vmem_shared>> -> memref<40000x32xf32, #tpu.memory_space<vmem_shared>>
        tpu.wait_indirect_dma semaphore(%run_scoped3A_131 : memref<!tpu.dma_semaphore, #tpu.memory_space<semaphore_mem>>) src(%dma_wait3A_141 : memref<80x32xf32, #tpu.memory_space<vmem>>) dst(%dma_wait3A_147 : memref<40000x32xf32, #tpu.memory_space<vmem_shared>>)
        tpu.yield
      }) : () -> ()
      %scan3A_130 = arith.constant 0 : i32
      scf.yield %scan3A_130 : i32
    }
    %scan3A_57 = arith.constant 50 : i32
    %barrier3A_58 = arith.constant 0 : index
    tpu.barrier barrier_id(%barrier3A_58)
    %add3A_59 = arith.constant 0 : i32
    %add3A_60 = arith.addi %add3A_59, %arg1 : i32
    %lt3A_61 = arith.constant 100 : i32
    %lt3A_62 = arith.cmpi slt, %add3A_60, %lt3A_61 : i32
    %convert_element_type3A_63 = arith.extui %lt3A_62 : i1 to i32
    %cond3A_64 = arith.constant 0 : i32
    %cond3A_65 = arith.cmpi ne, %convert_element_type3A_63, %cond3A_64 : i32
    scf.if %cond3A_65 {
      %mul3A = arith.constant 400 : i32
      %mul3A_108 = arith.muli %add3A_60, %mul3A : i32
      "tpu.region"() ({
        %run_scoped3A = tpu.sem_alloc : memref<!tpu.dma_semaphore, #tpu.memory_space<semaphore_mem>>
        %dma_start3A = arith.constant 0 : i32
        %dma_start3A_111 = tpu.memref_slice %arg7[%mul3A_108, %dma_start3A] : memref<40000x32xf32, #tpu.memory_space<vmem_shared>> -> memref<400x32xf32, #tpu.memory_space<vmem_shared>>
        %dma_start3A_112 = arith.constant 0 : i32
        %dma_start3A_113 = tpu.memref_slice %arg7[%mul3A_108, %dma_start3A_112] : memref<40000x32xf32, #tpu.memory_space<vmem_shared>> -> memref<400x32xf32, #tpu.memory_space<vmem_shared>>
        tpu.enqueue_dma source(%dma_start3A_113 : memref<400x32xf32, #tpu.memory_space<vmem_shared>>) target(%arg13 : memref<400x32xf32, #tpu.memory_space<vmem>>) target_semaphore(%run_scoped3A : memref<!tpu.dma_semaphore, #tpu.memory_space<semaphore_mem>>)
        %dma_wait3A = arith.constant 0 : i32
        %dma_wait3A_114 = tpu.memref_slice %arg7[%mul3A_108, %dma_wait3A] : memref<40000x32xf32, #tpu.memory_space<vmem_shared>> -> memref<400x32xf32, #tpu.memory_space<vmem_shared>>
        %dma_wait3A_115 = arith.constant 0 : i32
        %dma_wait3A_116 = tpu.memref_slice %arg7[%mul3A_108, %dma_wait3A_115] : memref<40000x32xf32, #tpu.memory_space<vmem_shared>> -> memref<400x32xf32, #tpu.memory_space<vmem_shared>>
        tpu.wait_dma2 semaphore(%run_scoped3A : memref<!tpu.dma_semaphore, #tpu.memory_space<semaphore_mem>>) src(%dma_wait3A_116 : memref<400x32xf32, #tpu.memory_space<vmem_shared>>) dst(%arg13 : memref<400x32xf32, #tpu.memory_space<vmem>>)
        tpu.yield
      }) : () -> ()
      %mul3A_109 = arith.constant 400 : i32
      %mul3A_110 = arith.muli %add3A_60, %mul3A_109 : i32
      "tpu.region"() ({
        %run_scoped3A = tpu.sem_alloc : memref<!tpu.dma_semaphore, #tpu.memory_space<semaphore_mem>>
        %dma_start3A = arith.constant 0 : i32
        %dma_start3A_111 = tpu.memref_slice %arg6[%mul3A_110, %dma_start3A] : memref<40000x32xf32, #tpu.memory_space<hbm>> -> memref<400x32xf32, #tpu.memory_space<hbm>>
        %dma_start3A_112 = arith.constant 0 : i32
        %dma_start3A_113 = tpu.memref_slice %arg6[%mul3A_110, %dma_start3A_112] : memref<40000x32xf32, #tpu.memory_space<hbm>> -> memref<400x32xf32, #tpu.memory_space<hbm>>
        tpu.enqueue_dma source(%arg13 : memref<400x32xf32, #tpu.memory_space<vmem>>) target(%dma_start3A_113 : memref<400x32xf32, #tpu.memory_space<hbm>>) target_semaphore(%run_scoped3A : memref<!tpu.dma_semaphore, #tpu.memory_space<semaphore_mem>>)
        %dma_wait3A = arith.constant 0 : i32
        %dma_wait3A_114 = tpu.memref_slice %arg6[%mul3A_110, %dma_wait3A] : memref<40000x32xf32, #tpu.memory_space<hbm>> -> memref<400x32xf32, #tpu.memory_space<hbm>>
        %dma_wait3A_115 = arith.constant 0 : i32
        %dma_wait3A_116 = tpu.memref_slice %arg6[%mul3A_110, %dma_wait3A_115] : memref<40000x32xf32, #tpu.memory_space<hbm>> -> memref<400x32xf32, #tpu.memory_space<hbm>>
        tpu.wait_dma2 semaphore(%run_scoped3A : memref<!tpu.dma_semaphore, #tpu.memory_space<semaphore_mem>>) src(%arg13 : memref<400x32xf32, #tpu.memory_space<vmem>>) dst(%dma_wait3A_116 : memref<400x32xf32, #tpu.memory_space<hbm>>)
        tpu.yield
      }) : () -> ()
    } else {
    }
    %add3A_66 = arith.constant 16 : i32
    %add3A_67 = arith.addi %add3A_66, %arg1 : i32
    %lt3A_68 = arith.constant 100 : i32
    %lt3A_69 = arith.cmpi slt, %add3A_67, %lt3A_68 : i32
    %convert_element_type3A_70 = arith.extui %lt3A_69 : i1 to i32
    %cond3A_71 = arith.constant 0 : i32
    %cond3A_72 = arith.cmpi ne, %convert_element_type3A_70, %cond3A_71 : i32
    scf.if %cond3A_72 {
      %mul3A = arith.constant 400 : i32
      %mul3A_108 = arith.muli %add3A_67, %mul3A : i32
      "tpu.region"() ({
        %run_scoped3A = tpu.sem_alloc : memref<!tpu.dma_semaphore, #tpu.memory_space<semaphore_mem>>
        %dma_start3A = arith.constant 0 : i32
        %dma_start3A_111 = tpu.memref_slice %arg7[%mul3A_108, %dma_start3A] : memref<40000x32xf32, #tpu.memory_space<vmem_shared>> -> memref<400x32xf32, #tpu.memory_space<vmem_shared>>
        %dma_start3A_112 = arith.constant 0 : i32
        %dma_start3A_113 = tpu.memref_slice %arg7[%mul3A_108, %dma_start3A_112] : memref<40000x32xf32, #tpu.memory_space<vmem_shared>> -> memref<400x32xf32, #tpu.memory_space<vmem_shared>>
        tpu.enqueue_dma source(%dma_start3A_113 : memref<400x32xf32, #tpu.memory_space<vmem_shared>>) target(%arg13 : memref<400x32xf32, #tpu.memory_space<vmem>>) target_semaphore(%run_scoped3A : memref<!tpu.dma_semaphore, #tpu.memory_space<semaphore_mem>>)
        %dma_wait3A = arith.constant 0 : i32
        %dma_wait3A_114 = tpu.memref_slice %arg7[%mul3A_108, %dma_wait3A] : memref<40000x32xf32, #tpu.memory_space<vmem_shared>> -> memref<400x32xf32, #tpu.memory_space<vmem_shared>>
        %dma_wait3A_115 = arith.constant 0 : i32
        %dma_wait3A_116 = tpu.memref_slice %arg7[%mul3A_108, %dma_wait3A_115] : memref<40000x32xf32, #tpu.memory_space<vmem_shared>> -> memref<400x32xf32, #tpu.memory_space<vmem_shared>>
        tpu.wait_dma2 semaphore(%run_scoped3A : memref<!tpu.dma_semaphore, #tpu.memory_space<semaphore_mem>>) src(%dma_wait3A_116 : memref<400x32xf32, #tpu.memory_space<vmem_shared>>) dst(%arg13 : memref<400x32xf32, #tpu.memory_space<vmem>>)
        tpu.yield
      }) : () -> ()
      %mul3A_109 = arith.constant 400 : i32
      %mul3A_110 = arith.muli %add3A_67, %mul3A_109 : i32
      "tpu.region"() ({
        %run_scoped3A = tpu.sem_alloc : memref<!tpu.dma_semaphore, #tpu.memory_space<semaphore_mem>>
        %dma_start3A = arith.constant 0 : i32
        %dma_start3A_111 = tpu.memref_slice %arg6[%mul3A_110, %dma_start3A] : memref<40000x32xf32, #tpu.memory_space<hbm>> -> memref<400x32xf32, #tpu.memory_space<hbm>>
        %dma_start3A_112 = arith.constant 0 : i32
        %dma_start3A_113 = tpu.memref_slice %arg6[%mul3A_110, %dma_start3A_112] : memref<40000x32xf32, #tpu.memory_space<hbm>> -> memref<400x32xf32, #tpu.memory_space<hbm>>
        tpu.enqueue_dma source(%arg13 : memref<400x32xf32, #tpu.memory_space<vmem>>) target(%dma_start3A_113 : memref<400x32xf32, #tpu.memory_space<hbm>>) target_semaphore(%run_scoped3A : memref<!tpu.dma_semaphore, #tpu.memory_space<semaphore_mem>>)
        %dma_wait3A = arith.constant 0 : i32
        %dma_wait3A_114 = tpu.memref_slice %arg6[%mul3A_110, %dma_wait3A] : memref<40000x32xf32, #tpu.memory_space<hbm>> -> memref<400x32xf32, #tpu.memory_space<hbm>>
        %dma_wait3A_115 = arith.constant 0 : i32
        %dma_wait3A_116 = tpu.memref_slice %arg6[%mul3A_110, %dma_wait3A_115] : memref<40000x32xf32, #tpu.memory_space<hbm>> -> memref<400x32xf32, #tpu.memory_space<hbm>>
        tpu.wait_dma2 semaphore(%run_scoped3A : memref<!tpu.dma_semaphore, #tpu.memory_space<semaphore_mem>>) src(%arg13 : memref<400x32xf32, #tpu.memory_space<vmem>>) dst(%dma_wait3A_116 : memref<400x32xf32, #tpu.memory_space<hbm>>)
        tpu.yield
      }) : () -> ()
    } else {
    }
    %add3A_73 = arith.constant 32 : i32
    %add3A_74 = arith.addi %add3A_73, %arg1 : i32
    %lt3A_75 = arith.constant 100 : i32
    %lt3A_76 = arith.cmpi slt, %add3A_74, %lt3A_75 : i32
    %convert_element_type3A_77 = arith.extui %lt3A_76 : i1 to i32
    %cond3A_78 = arith.constant 0 : i32
    %cond3A_79 = arith.cmpi ne, %convert_element_type3A_77, %cond3A_78 : i32
    scf.if %cond3A_79 {
      %mul3A = arith.constant 400 : i32
      %mul3A_108 = arith.muli %add3A_74, %mul3A : i32
      "tpu.region"() ({
        %run_scoped3A = tpu.sem_alloc : memref<!tpu.dma_semaphore, #tpu.memory_space<semaphore_mem>>
        %dma_start3A = arith.constant 0 : i32
        %dma_start3A_111 = tpu.memref_slice %arg7[%mul3A_108, %dma_start3A] : memref<40000x32xf32, #tpu.memory_space<vmem_shared>> -> memref<400x32xf32, #tpu.memory_space<vmem_shared>>
        %dma_start3A_112 = arith.constant 0 : i32
        %dma_start3A_113 = tpu.memref_slice %arg7[%mul3A_108, %dma_start3A_112] : memref<40000x32xf32, #tpu.memory_space<vmem_shared>> -> memref<400x32xf32, #tpu.memory_space<vmem_shared>>
        tpu.enqueue_dma source(%dma_start3A_113 : memref<400x32xf32, #tpu.memory_space<vmem_shared>>) target(%arg13 : memref<400x32xf32, #tpu.memory_space<vmem>>) target_semaphore(%run_scoped3A : memref<!tpu.dma_semaphore, #tpu.memory_space<semaphore_mem>>)
        %dma_wait3A = arith.constant 0 : i32
        %dma_wait3A_114 = tpu.memref_slice %arg7[%mul3A_108, %dma_wait3A] : memref<40000x32xf32, #tpu.memory_space<vmem_shared>> -> memref<400x32xf32, #tpu.memory_space<vmem_shared>>
        %dma_wait3A_115 = arith.constant 0 : i32
        %dma_wait3A_116 = tpu.memref_slice %arg7[%mul3A_108, %dma_wait3A_115] : memref<40000x32xf32, #tpu.memory_space<vmem_shared>> -> memref<400x32xf32, #tpu.memory_space<vmem_shared>>
        tpu.wait_dma2 semaphore(%run_scoped3A : memref<!tpu.dma_semaphore, #tpu.memory_space<semaphore_mem>>) src(%dma_wait3A_116 : memref<400x32xf32, #tpu.memory_space<vmem_shared>>) dst(%arg13 : memref<400x32xf32, #tpu.memory_space<vmem>>)
        tpu.yield
      }) : () -> ()
      %mul3A_109 = arith.constant 400 : i32
      %mul3A_110 = arith.muli %add3A_74, %mul3A_109 : i32
      "tpu.region"() ({
        %run_scoped3A = tpu.sem_alloc : memref<!tpu.dma_semaphore, #tpu.memory_space<semaphore_mem>>
        %dma_start3A = arith.constant 0 : i32
        %dma_start3A_111 = tpu.memref_slice %arg6[%mul3A_110, %dma_start3A] : memref<40000x32xf32, #tpu.memory_space<hbm>> -> memref<400x32xf32, #tpu.memory_space<hbm>>
        %dma_start3A_112 = arith.constant 0 : i32
        %dma_start3A_113 = tpu.memref_slice %arg6[%mul3A_110, %dma_start3A_112] : memref<40000x32xf32, #tpu.memory_space<hbm>> -> memref<400x32xf32, #tpu.memory_space<hbm>>
        tpu.enqueue_dma source(%arg13 : memref<400x32xf32, #tpu.memory_space<vmem>>) target(%dma_start3A_113 : memref<400x32xf32, #tpu.memory_space<hbm>>) target_semaphore(%run_scoped3A : memref<!tpu.dma_semaphore, #tpu.memory_space<semaphore_mem>>)
        %dma_wait3A = arith.constant 0 : i32
        %dma_wait3A_114 = tpu.memref_slice %arg6[%mul3A_110, %dma_wait3A] : memref<40000x32xf32, #tpu.memory_space<hbm>> -> memref<400x32xf32, #tpu.memory_space<hbm>>
        %dma_wait3A_115 = arith.constant 0 : i32
        %dma_wait3A_116 = tpu.memref_slice %arg6[%mul3A_110, %dma_wait3A_115] : memref<40000x32xf32, #tpu.memory_space<hbm>> -> memref<400x32xf32, #tpu.memory_space<hbm>>
        tpu.wait_dma2 semaphore(%run_scoped3A : memref<!tpu.dma_semaphore, #tpu.memory_space<semaphore_mem>>) src(%arg13 : memref<400x32xf32, #tpu.memory_space<vmem>>) dst(%dma_wait3A_116 : memref<400x32xf32, #tpu.memory_space<hbm>>)
        tpu.yield
      }) : () -> ()
    } else {
    }
    %add3A_80 = arith.constant 48 : i32
    %add3A_81 = arith.addi %add3A_80, %arg1 : i32
    %lt3A_82 = arith.constant 100 : i32
    %lt3A_83 = arith.cmpi slt, %add3A_81, %lt3A_82 : i32
    %convert_element_type3A_84 = arith.extui %lt3A_83 : i1 to i32
    %cond3A_85 = arith.constant 0 : i32
    %cond3A_86 = arith.cmpi ne, %convert_element_type3A_84, %cond3A_85 : i32
    scf.if %cond3A_86 {
      %mul3A = arith.constant 400 : i32
      %mul3A_108 = arith.muli %add3A_81, %mul3A : i32
      "tpu.region"() ({
        %run_scoped3A = tpu.sem_alloc : memref<!tpu.dma_semaphore, #tpu.memory_space<semaphore_mem>>
        %dma_start3A = arith.constant 0 : i32
        %dma_start3A_111 = tpu.memref_slice %arg7[%mul3A_108, %dma_start3A] : memref<40000x32xf32, #tpu.memory_space<vmem_shared>> -> memref<400x32xf32, #tpu.memory_space<vmem_shared>>
        %dma_start3A_112 = arith.constant 0 : i32
        %dma_start3A_113 = tpu.memref_slice %arg7[%mul3A_108, %dma_start3A_112] : memref<40000x32xf32, #tpu.memory_space<vmem_shared>> -> memref<400x32xf32, #tpu.memory_space<vmem_shared>>
        tpu.enqueue_dma source(%dma_start3A_113 : memref<400x32xf32, #tpu.memory_space<vmem_shared>>) target(%arg13 : memref<400x32xf32, #tpu.memory_space<vmem>>) target_semaphore(%run_scoped3A : memref<!tpu.dma_semaphore, #tpu.memory_space<semaphore_mem>>)
        %dma_wait3A = arith.constant 0 : i32
        %dma_wait3A_114 = tpu.memref_slice %arg7[%mul3A_108, %dma_wait3A] : memref<40000x32xf32, #tpu.memory_space<vmem_shared>> -> memref<400x32xf32, #tpu.memory_space<vmem_shared>>
        %dma_wait3A_115 = arith.constant 0 : i32
        %dma_wait3A_116 = tpu.memref_slice %arg7[%mul3A_108, %dma_wait3A_115] : memref<40000x32xf32, #tpu.memory_space<vmem_shared>> -> memref<400x32xf32, #tpu.memory_space<vmem_shared>>
        tpu.wait_dma2 semaphore(%run_scoped3A : memref<!tpu.dma_semaphore, #tpu.memory_space<semaphore_mem>>) src(%dma_wait3A_116 : memref<400x32xf32, #tpu.memory_space<vmem_shared>>) dst(%arg13 : memref<400x32xf32, #tpu.memory_space<vmem>>)
        tpu.yield
      }) : () -> ()
      %mul3A_109 = arith.constant 400 : i32
      %mul3A_110 = arith.muli %add3A_81, %mul3A_109 : i32
      "tpu.region"() ({
        %run_scoped3A = tpu.sem_alloc : memref<!tpu.dma_semaphore, #tpu.memory_space<semaphore_mem>>
        %dma_start3A = arith.constant 0 : i32
        %dma_start3A_111 = tpu.memref_slice %arg6[%mul3A_110, %dma_start3A] : memref<40000x32xf32, #tpu.memory_space<hbm>> -> memref<400x32xf32, #tpu.memory_space<hbm>>
        %dma_start3A_112 = arith.constant 0 : i32
        %dma_start3A_113 = tpu.memref_slice %arg6[%mul3A_110, %dma_start3A_112] : memref<40000x32xf32, #tpu.memory_space<hbm>> -> memref<400x32xf32, #tpu.memory_space<hbm>>
        tpu.enqueue_dma source(%arg13 : memref<400x32xf32, #tpu.memory_space<vmem>>) target(%dma_start3A_113 : memref<400x32xf32, #tpu.memory_space<hbm>>) target_semaphore(%run_scoped3A : memref<!tpu.dma_semaphore, #tpu.memory_space<semaphore_mem>>)
        %dma_wait3A = arith.constant 0 : i32
        %dma_wait3A_114 = tpu.memref_slice %arg6[%mul3A_110, %dma_wait3A] : memref<40000x32xf32, #tpu.memory_space<hbm>> -> memref<400x32xf32, #tpu.memory_space<hbm>>
        %dma_wait3A_115 = arith.constant 0 : i32
        %dma_wait3A_116 = tpu.memref_slice %arg6[%mul3A_110, %dma_wait3A_115] : memref<40000x32xf32, #tpu.memory_space<hbm>> -> memref<400x32xf32, #tpu.memory_space<hbm>>
        tpu.wait_dma2 semaphore(%run_scoped3A : memref<!tpu.dma_semaphore, #tpu.memory_space<semaphore_mem>>) src(%arg13 : memref<400x32xf32, #tpu.memory_space<vmem>>) dst(%dma_wait3A_116 : memref<400x32xf32, #tpu.memory_space<hbm>>)
        tpu.yield
      }) : () -> ()
    } else {
    }
    %add3A_87 = arith.constant 64 : i32
    %add3A_88 = arith.addi %add3A_87, %arg1 : i32
    %lt3A_89 = arith.constant 100 : i32
    %lt3A_90 = arith.cmpi slt, %add3A_88, %lt3A_89 : i32
    %convert_element_type3A_91 = arith.extui %lt3A_90 : i1 to i32
    %cond3A_92 = arith.constant 0 : i32
    %cond3A_93 = arith.cmpi ne, %convert_element_type3A_91, %cond3A_92 : i32
    scf.if %cond3A_93 {
      %mul3A = arith.constant 400 : i32
      %mul3A_108 = arith.muli %add3A_88, %mul3A : i32
      "tpu.region"() ({
        %run_scoped3A = tpu.sem_alloc : memref<!tpu.dma_semaphore, #tpu.memory_space<semaphore_mem>>
        %dma_start3A = arith.constant 0 : i32
        %dma_start3A_111 = tpu.memref_slice %arg7[%mul3A_108, %dma_start3A] : memref<40000x32xf32, #tpu.memory_space<vmem_shared>> -> memref<400x32xf32, #tpu.memory_space<vmem_shared>>
        %dma_start3A_112 = arith.constant 0 : i32
        %dma_start3A_113 = tpu.memref_slice %arg7[%mul3A_108, %dma_start3A_112] : memref<40000x32xf32, #tpu.memory_space<vmem_shared>> -> memref<400x32xf32, #tpu.memory_space<vmem_shared>>
        tpu.enqueue_dma source(%dma_start3A_113 : memref<400x32xf32, #tpu.memory_space<vmem_shared>>) target(%arg13 : memref<400x32xf32, #tpu.memory_space<vmem>>) target_semaphore(%run_scoped3A : memref<!tpu.dma_semaphore, #tpu.memory_space<semaphore_mem>>)
        %dma_wait3A = arith.constant 0 : i32
        %dma_wait3A_114 = tpu.memref_slice %arg7[%mul3A_108, %dma_wait3A] : memref<40000x32xf32, #tpu.memory_space<vmem_shared>> -> memref<400x32xf32, #tpu.memory_space<vmem_shared>>
        %dma_wait3A_115 = arith.constant 0 : i32
        %dma_wait3A_116 = tpu.memref_slice %arg7[%mul3A_108, %dma_wait3A_115] : memref<40000x32xf32, #tpu.memory_space<vmem_shared>> -> memref<400x32xf32, #tpu.memory_space<vmem_shared>>
        tpu.wait_dma2 semaphore(%run_scoped3A : memref<!tpu.dma_semaphore, #tpu.memory_space<semaphore_mem>>) src(%dma_wait3A_116 : memref<400x32xf32, #tpu.memory_space<vmem_shared>>) dst(%arg13 : memref<400x32xf32, #tpu.memory_space<vmem>>)
        tpu.yield
      }) : () -> ()
      %mul3A_109 = arith.constant 400 : i32
      %mul3A_110 = arith.muli %add3A_88, %mul3A_109 : i32
      "tpu.region"() ({
        %run_scoped3A = tpu.sem_alloc : memref<!tpu.dma_semaphore, #tpu.memory_space<semaphore_mem>>
        %dma_start3A = arith.constant 0 : i32
        %dma_start3A_111 = tpu.memref_slice %arg6[%mul3A_110, %dma_start3A] : memref<40000x32xf32, #tpu.memory_space<hbm>> -> memref<400x32xf32, #tpu.memory_space<hbm>>
        %dma_start3A_112 = arith.constant 0 : i32
        %dma_start3A_113 = tpu.memref_slice %arg6[%mul3A_110, %dma_start3A_112] : memref<40000x32xf32, #tpu.memory_space<hbm>> -> memref<400x32xf32, #tpu.memory_space<hbm>>
        tpu.enqueue_dma source(%arg13 : memref<400x32xf32, #tpu.memory_space<vmem>>) target(%dma_start3A_113 : memref<400x32xf32, #tpu.memory_space<hbm>>) target_semaphore(%run_scoped3A : memref<!tpu.dma_semaphore, #tpu.memory_space<semaphore_mem>>)
        %dma_wait3A = arith.constant 0 : i32
        %dma_wait3A_114 = tpu.memref_slice %arg6[%mul3A_110, %dma_wait3A] : memref<40000x32xf32, #tpu.memory_space<hbm>> -> memref<400x32xf32, #tpu.memory_space<hbm>>
        %dma_wait3A_115 = arith.constant 0 : i32
        %dma_wait3A_116 = tpu.memref_slice %arg6[%mul3A_110, %dma_wait3A_115] : memref<40000x32xf32, #tpu.memory_space<hbm>> -> memref<400x32xf32, #tpu.memory_space<hbm>>
        tpu.wait_dma2 semaphore(%run_scoped3A : memref<!tpu.dma_semaphore, #tpu.memory_space<semaphore_mem>>) src(%arg13 : memref<400x32xf32, #tpu.memory_space<vmem>>) dst(%dma_wait3A_116 : memref<400x32xf32, #tpu.memory_space<hbm>>)
        tpu.yield
      }) : () -> ()
    } else {
    }
    %add3A_94 = arith.constant 80 : i32
    %add3A_95 = arith.addi %add3A_94, %arg1 : i32
    %lt3A_96 = arith.constant 100 : i32
    %lt3A_97 = arith.cmpi slt, %add3A_95, %lt3A_96 : i32
    %convert_element_type3A_98 = arith.extui %lt3A_97 : i1 to i32
    %cond3A_99 = arith.constant 0 : i32
    %cond3A_100 = arith.cmpi ne, %convert_element_type3A_98, %cond3A_99 : i32
    scf.if %cond3A_100 {
      %mul3A = arith.constant 400 : i32
      %mul3A_108 = arith.muli %add3A_95, %mul3A : i32
      "tpu.region"() ({
        %run_scoped3A = tpu.sem_alloc : memref<!tpu.dma_semaphore, #tpu.memory_space<semaphore_mem>>
        %dma_start3A = arith.constant 0 : i32
        %dma_start3A_111 = tpu.memref_slice %arg7[%mul3A_108, %dma_start3A] : memref<40000x32xf32, #tpu.memory_space<vmem_shared>> -> memref<400x32xf32, #tpu.memory_space<vmem_shared>>
        %dma_start3A_112 = arith.constant 0 : i32
        %dma_start3A_113 = tpu.memref_slice %arg7[%mul3A_108, %dma_start3A_112] : memref<40000x32xf32, #tpu.memory_space<vmem_shared>> -> memref<400x32xf32, #tpu.memory_space<vmem_shared>>
        tpu.enqueue_dma source(%dma_start3A_113 : memref<400x32xf32, #tpu.memory_space<vmem_shared>>) target(%arg13 : memref<400x32xf32, #tpu.memory_space<vmem>>) target_semaphore(%run_scoped3A : memref<!tpu.dma_semaphore, #tpu.memory_space<semaphore_mem>>)
        %dma_wait3A = arith.constant 0 : i32
        %dma_wait3A_114 = tpu.memref_slice %arg7[%mul3A_108, %dma_wait3A] : memref<40000x32xf32, #tpu.memory_space<vmem_shared>> -> memref<400x32xf32, #tpu.memory_space<vmem_shared>>
        %dma_wait3A_115 = arith.constant 0 : i32
        %dma_wait3A_116 = tpu.memref_slice %arg7[%mul3A_108, %dma_wait3A_115] : memref<40000x32xf32, #tpu.memory_space<vmem_shared>> -> memref<400x32xf32, #tpu.memory_space<vmem_shared>>
        tpu.wait_dma2 semaphore(%run_scoped3A : memref<!tpu.dma_semaphore, #tpu.memory_space<semaphore_mem>>) src(%dma_wait3A_116 : memref<400x32xf32, #tpu.memory_space<vmem_shared>>) dst(%arg13 : memref<400x32xf32, #tpu.memory_space<vmem>>)
        tpu.yield
      }) : () -> ()
      %mul3A_109 = arith.constant 400 : i32
      %mul3A_110 = arith.muli %add3A_95, %mul3A_109 : i32
      "tpu.region"() ({
        %run_scoped3A = tpu.sem_alloc : memref<!tpu.dma_semaphore, #tpu.memory_space<semaphore_mem>>
        %dma_start3A = arith.constant 0 : i32
        %dma_start3A_111 = tpu.memref_slice %arg6[%mul3A_110, %dma_start3A] : memref<40000x32xf32, #tpu.memory_space<hbm>> -> memref<400x32xf32, #tpu.memory_space<hbm>>
        %dma_start3A_112 = arith.constant 0 : i32
        %dma_start3A_113 = tpu.memref_slice %arg6[%mul3A_110, %dma_start3A_112] : memref<40000x32xf32, #tpu.memory_space<hbm>> -> memref<400x32xf32, #tpu.memory_space<hbm>>
        tpu.enqueue_dma source(%arg13 : memref<400x32xf32, #tpu.memory_space<vmem>>) target(%dma_start3A_113 : memref<400x32xf32, #tpu.memory_space<hbm>>) target_semaphore(%run_scoped3A : memref<!tpu.dma_semaphore, #tpu.memory_space<semaphore_mem>>)
        %dma_wait3A = arith.constant 0 : i32
        %dma_wait3A_114 = tpu.memref_slice %arg6[%mul3A_110, %dma_wait3A] : memref<40000x32xf32, #tpu.memory_space<hbm>> -> memref<400x32xf32, #tpu.memory_space<hbm>>
        %dma_wait3A_115 = arith.constant 0 : i32
        %dma_wait3A_116 = tpu.memref_slice %arg6[%mul3A_110, %dma_wait3A_115] : memref<40000x32xf32, #tpu.memory_space<hbm>> -> memref<400x32xf32, #tpu.memory_space<hbm>>
        tpu.wait_dma2 semaphore(%run_scoped3A : memref<!tpu.dma_semaphore, #tpu.memory_space<semaphore_mem>>) src(%arg13 : memref<400x32xf32, #tpu.memory_space<vmem>>) dst(%dma_wait3A_116 : memref<400x32xf32, #tpu.memory_space<hbm>>)
        tpu.yield
      }) : () -> ()
    } else {
    }
    %add3A_101 = arith.constant 96 : i32
    %add3A_102 = arith.addi %add3A_101, %arg1 : i32
    %lt3A_103 = arith.constant 100 : i32
    %lt3A_104 = arith.cmpi slt, %add3A_102, %lt3A_103 : i32
    %convert_element_type3A_105 = arith.extui %lt3A_104 : i1 to i32
    %cond3A_106 = arith.constant 0 : i32
    %cond3A_107 = arith.cmpi ne, %convert_element_type3A_105, %cond3A_106 : i32
    scf.if %cond3A_107 {
      %mul3A = arith.constant 400 : i32
      %mul3A_108 = arith.muli %add3A_102, %mul3A : i32
      "tpu.region"() ({
        %run_scoped3A = tpu.sem_alloc : memref<!tpu.dma_semaphore, #tpu.memory_space<semaphore_mem>>
        %dma_start3A = arith.constant 0 : i32
        %dma_start3A_111 = tpu.memref_slice %arg7[%mul3A_108, %dma_start3A] : memref<40000x32xf32, #tpu.memory_space<vmem_shared>> -> memref<400x32xf32, #tpu.memory_space<vmem_shared>>
        %dma_start3A_112 = arith.constant 0 : i32
        %dma_start3A_113 = tpu.memref_slice %arg7[%mul3A_108, %dma_start3A_112] : memref<40000x32xf32, #tpu.memory_space<vmem_shared>> -> memref<400x32xf32, #tpu.memory_space<vmem_shared>>
        tpu.enqueue_dma source(%dma_start3A_113 : memref<400x32xf32, #tpu.memory_space<vmem_shared>>) target(%arg13 : memref<400x32xf32, #tpu.memory_space<vmem>>) target_semaphore(%run_scoped3A : memref<!tpu.dma_semaphore, #tpu.memory_space<semaphore_mem>>)
        %dma_wait3A = arith.constant 0 : i32
        %dma_wait3A_114 = tpu.memref_slice %arg7[%mul3A_108, %dma_wait3A] : memref<40000x32xf32, #tpu.memory_space<vmem_shared>> -> memref<400x32xf32, #tpu.memory_space<vmem_shared>>
        %dma_wait3A_115 = arith.constant 0 : i32
        %dma_wait3A_116 = tpu.memref_slice %arg7[%mul3A_108, %dma_wait3A_115] : memref<40000x32xf32, #tpu.memory_space<vmem_shared>> -> memref<400x32xf32, #tpu.memory_space<vmem_shared>>
        tpu.wait_dma2 semaphore(%run_scoped3A : memref<!tpu.dma_semaphore, #tpu.memory_space<semaphore_mem>>) src(%dma_wait3A_116 : memref<400x32xf32, #tpu.memory_space<vmem_shared>>) dst(%arg13 : memref<400x32xf32, #tpu.memory_space<vmem>>)
        tpu.yield
      }) : () -> ()
      %mul3A_109 = arith.constant 400 : i32
      %mul3A_110 = arith.muli %add3A_102, %mul3A_109 : i32
      "tpu.region"() ({
        %run_scoped3A = tpu.sem_alloc : memref<!tpu.dma_semaphore, #tpu.memory_space<semaphore_mem>>
        %dma_start3A = arith.constant 0 : i32
        %dma_start3A_111 = tpu.memref_slice %arg6[%mul3A_110, %dma_start3A] : memref<40000x32xf32, #tpu.memory_space<hbm>> -> memref<400x32xf32, #tpu.memory_space<hbm>>
        %dma_start3A_112 = arith.constant 0 : i32
        %dma_start3A_113 = tpu.memref_slice %arg6[%mul3A_110, %dma_start3A_112] : memref<40000x32xf32, #tpu.memory_space<hbm>> -> memref<400x32xf32, #tpu.memory_space<hbm>>
        tpu.enqueue_dma source(%arg13 : memref<400x32xf32, #tpu.memory_space<vmem>>) target(%dma_start3A_113 : memref<400x32xf32, #tpu.memory_space<hbm>>) target_semaphore(%run_scoped3A : memref<!tpu.dma_semaphore, #tpu.memory_space<semaphore_mem>>)
        %dma_wait3A = arith.constant 0 : i32
        %dma_wait3A_114 = tpu.memref_slice %arg6[%mul3A_110, %dma_wait3A] : memref<40000x32xf32, #tpu.memory_space<hbm>> -> memref<400x32xf32, #tpu.memory_space<hbm>>
        %dma_wait3A_115 = arith.constant 0 : i32
        %dma_wait3A_116 = tpu.memref_slice %arg6[%mul3A_110, %dma_wait3A_115] : memref<40000x32xf32, #tpu.memory_space<hbm>> -> memref<400x32xf32, #tpu.memory_space<hbm>>
        tpu.wait_dma2 semaphore(%run_scoped3A : memref<!tpu.dma_semaphore, #tpu.memory_space<semaphore_mem>>) src(%arg13 : memref<400x32xf32, #tpu.memory_space<vmem>>) dst(%dma_wait3A_116 : memref<400x32xf32, #tpu.memory_space<hbm>>)
        tpu.yield
      }) : () -> ()
    } else {
    }
    return
  }
}

module attributes {stable_mosaic.version = 14 : i64} {
  func.func @_feat_body(%arg0: i32, %arg1: memref<512x3xf32, #tpu.memory_space<vmem>>, %arg2: memref<1x16xf32, #tpu.memory_space<vmem>>, %arg3: memref<1x1xf32, #tpu.memory_space<vmem>>, %arg4: memref<16x32xf32, #tpu.memory_space<vmem>>, %arg5: memref<512x32xf32, #tpu.memory_space<vmem>>) attributes {dimension_semantics = [#tpu.dimension_semantics<arbitrary>], iteration_bounds = array<i64: 1250>, scalar_prefetch = 0 : i64, scratch_operands = 0 : i64, tpu.core_type = #tpu.core_type<tc>, window_params = [{transform_indices = @transform_0, window_bounds = array<i64: 512, 3>}, {pipeline_mode = #tpu.pipeline_mode<synchronous>, transform_indices = @transform_1, window_bounds = array<i64: 1, 16>}, {pipeline_mode = #tpu.pipeline_mode<synchronous>, transform_indices = @transform_2, window_bounds = array<i64: 1, 1>}, {pipeline_mode = #tpu.pipeline_mode<synchronous>, transform_indices = @transform_3, window_bounds = array<i64: 16, 32>}, {transform_indices = @transform_4, window_bounds = array<i64: 512, 32>}]} {
    %get3A = arith.constant 0 : index
    %get3A_0 = arith.constant 0 : index
    %get3A_1 = vector.load %arg1[%get3A, %get3A_0] : memref<512x3xf32, #tpu.memory_space<vmem>>, vector<512x3xf32>
    %mul3A = arith.mulf %get3A_1, %get3A_1 : vector<512x3xf32>
    %reduce_sum3A = arith.constant dense<0.000000e+00> : vector<512xf32>
    %reduce_sum3A_2 = vector.multi_reduction <add>, %mul3A, %reduce_sum3A [1] : vector<512x3xf32> to vector<512xf32>
    %broadcast_in_dim3A = vector.shape_cast %reduce_sum3A_2 : vector<512xf32> to vector<512x1xf32>
    %add3A = arith.constant 9.99999996E-13 : f32
    %add3A_3 = vector.broadcast %add3A : f32 to vector<512x1xf32>
    %add3A_4 = arith.addf %broadcast_in_dim3A, %add3A_3 : vector<512x1xf32>
    %sqrt3A = math.sqrt %add3A_4 : vector<512x1xf32>
    %div3A = arith.constant 5.000000e+00 : f32
    %div3A_5 = vector.broadcast %div3A : f32 to vector<512x1xf32>
    %div3A_6 = arith.divf %sqrt3A, %div3A_5 : vector<512x1xf32>
    %jit3A = arith.constant 0.000000e+00 : f32
    %jit3A_7 = arith.constant 1.000000e+00 : f32
    %max3A = vector.broadcast %jit3A : f32 to vector<512x1xf32>
    %max3A_8 = arith.maximumf %max3A, %div3A_6 : vector<512x1xf32>
    %min3A = vector.broadcast %jit3A_7 : f32 to vector<512x1xf32>
    %min3A_9 = arith.minimumf %min3A, %max3A_8 : vector<512x1xf32>
    %mul3A_10 = arith.constant 3.14159274 : f32
    %mul3A_11 = vector.broadcast %mul3A_10 : f32 to vector<512x1xf32>
    %mul3A_12 = arith.mulf %mul3A_11, %min3A_9 : vector<512x1xf32>
    %cos3A = math.cos %mul3A_12 : vector<512x1xf32>
    %add3A_13 = arith.constant 1.000000e+00 : f32
    %add3A_14 = vector.broadcast %add3A_13 : f32 to vector<512x1xf32>
    %add3A_15 = arith.addf %cos3A, %add3A_14 : vector<512x1xf32>
    %mul3A_16 = arith.constant 5.000000e-01 : f32
    %mul3A_17 = vector.broadcast %mul3A_16 : f32 to vector<512x1xf32>
    %mul3A_18 = arith.mulf %mul3A_17, %add3A_15 : vector<512x1xf32>
    %get3A_19 = arith.constant 0 : index
    %get3A_20 = arith.constant 0 : index
    %get3A_21 = vector.load %arg3[%get3A_19, %get3A_20] : memref<1x1xf32, #tpu.memory_space<vmem>>, vector<1x1xf32>
    %get3A_22 = vector.extract %get3A_21[0, 0] : f32 from vector<1x1xf32>
    %neg3A = arith.constant 0.000000e+00 : f32
    %neg3A_23 = arith.subf %neg3A, %get3A_22 : f32
    %get3A_24 = arith.constant 0 : index
    %get3A_25 = arith.constant 0 : index
    %get3A_26 = vector.load %arg2[%get3A_24, %get3A_25] : memref<1x16xf32, #tpu.memory_space<vmem>>, vector<1x16xf32>
    %sub3A = vector.broadcast %sqrt3A : vector<512x1xf32> to vector<512x16xf32>
    %sub3A_27 = vector.broadcast %get3A_26 : vector<1x16xf32> to vector<512x16xf32>
    %sub3A_28 = arith.subf %sub3A, %sub3A_27 : vector<512x16xf32>
    %integer_pow3A = arith.mulf %sub3A_28, %sub3A_28 : vector<512x16xf32>
    %mul3A_29 = vector.broadcast %neg3A_23 : f32 to vector<512x16xf32>
    %mul3A_30 = arith.mulf %mul3A_29, %integer_pow3A : vector<512x16xf32>
    %exp3A = math.exp %mul3A_30 : vector<512x16xf32>
    %mul3A_31 = vector.broadcast %mul3A_18 : vector<512x1xf32> to vector<512x16xf32>
    %mul3A_32 = arith.mulf %exp3A, %mul3A_31 : vector<512x16xf32>
    %get3A_33 = arith.constant 0 : index
    %get3A_34 = arith.constant 0 : index
    %get3A_35 = vector.load %arg4[%get3A_33, %get3A_34] : memref<16x32xf32, #tpu.memory_space<vmem>>, vector<16x32xf32>
    %dot_general3A = arith.constant dense<0.000000e+00> : vector<512x32xf32>
    %dot_general3A_36 = tpu.matmul %mul3A_32, %get3A_35, %dot_general3A {dimension_numbers = #tpu.dot_dimension_numbers<[1], [0], [0], [1], [0, 0, 1, 1], [], []>, transpose_lhs_hint = false} : vector<512x16xf32>, vector<16x32xf32>, vector<512x32xf32> -> vector<512x32xf32>
    %swap3A = arith.constant 0 : index
    %swap3A_37 = arith.constant 0 : index
    %swap3A_38 = vector.load %arg5[%swap3A, %swap3A_37] : memref<512x32xf32, #tpu.memory_space<vmem>>, vector<512x32xf32>
    tpu.vector_store %arg5[%swap3A, %swap3A_37], %dot_general3A_36 {strides = array<i32>} : memref<512x32xf32, #tpu.memory_space<vmem>>, vector<512x32xf32>,
    return
  }
  func.func @transform_0(%arg0: i32) -> (i32, i32) {
    %c0_i32 = arith.constant 0 : i32
    %c0_i32_0 = arith.constant 0 : i32
    return %arg0, %c0_i32 : i32, i32
  }
  func.func @transform_1(%arg0: i32) -> (i32, i32) {
    %c0_i32 = arith.constant 0 : i32
    %c0_i32_0 = arith.constant 0 : i32
    %c0_i32_1 = arith.constant 0 : i32
    return %c0_i32, %c0_i32_0 : i32, i32
  }
  func.func @transform_2(%arg0: i32) -> (i32, i32) {
    %c0_i32 = arith.constant 0 : i32
    %c0_i32_0 = arith.constant 0 : i32
    %c0_i32_1 = arith.constant 0 : i32
    return %c0_i32, %c0_i32_0 : i32, i32
  }
  func.func @transform_3(%arg0: i32) -> (i32, i32) {
    %c0_i32 = arith.constant 0 : i32
    %c0_i32_0 = arith.constant 0 : i32
    %c0_i32_1 = arith.constant 0 : i32
    return %c0_i32, %c0_i32_0 : i32, i32
  }
  func.func @transform_4(%arg0: i32) -> (i32, i32) {
    %c0_i32 = arith.constant 0 : i32
    %c0_i32_0 = arith.constant 0 : i32
    return %arg0, %c0_i32 : i32, i32
  }
}

</mosaic_0001>

<sc_bundles>
// kernel: kernel.4.cloned.1.call-start
scs
__scs_entry_jumppad:
0x0: {  	(pc) =	sbr.rel $0x88, $3  }
0x1: {  	(tag) =	ssettag $0x0;
	lr =	simm.s32 $0x1  }
0x2: {  	[smem:$0x3F9B] =	sst lr;
	_ =	strace $0xD0000000  }
0x3: {  	_ = 	snop  }
0x4: {  	_ = 	snop  }
0x5: {  	_ = 	snop  }
0x6: {  	_ = 	snop  }
0x7: {  	_ = 	snop  }
__scs_overlays_trampoline_lowered:
0x8: {  	[smem:$0x3FAA] =	sst s0  }
0x9: {  	[smem:$0x3FAB] =	sst s1  }
0xa: {  	[smem:$0x3FAC] =	sst s2  }
0xb: {  	[smem:$0x3FAD] =	sst s3  }
0xc: {  	[smem:$0x3FAE] =	sst s4  }
0xd: {  	[smem:$0x3FAF] =	sst s5  }
0xe: {  	[smem:$0x3FB0] =	sst s6  }
0xf: {  	[smem:$0x3FB1] =	sst s7  }
0x10: {  	[smem:$0x3FB2] =	sst s8  }
0x11: {  	[smem:$0x3FB3] =	sst s9;
	s0 =	simm.s32 @!p0 $0x0  }
0x12: {  	s1 =	sld [smem:$0x3F99];
	s0 =	simm.s32 @p0 $0x1  }
0x13: {  	[smem:$0x3FB4] =	sst s0;
	s0 =	simm.s32 @!p1 $0x0  }
0x14: {  	s2 =	sld [smem:$0x3F98];
	s0 =	simm.s32 @p1 $0x1  }
0x15: {  	[smem:$0x3FB5] =	sst s0;
	s0 =	simm.s32 @!p2 $0x0  }
0x16: {  	s3 =	sld [smem:$0x3FDB];
	s0 =	simm.s32 @p2 $0x1  }
0x17: {  	s4 =	simm.s32 $0x1BF5;
	[smem:$0x3FB7] =	sst s0  }
0x18: {  	s0 =	sld [smem:$0x3F9A];
	_ =	swait.ge [sflag:s4], $0x0  }
0x19: {  	s7 =	sld [smem:$0x3F9B]  }
0x1a: {  	s8 =	sadd.s32 $0xFFFFE003, lr  }
0x1b: {  	s9 =	sadd.s32 $0xFFFFFEF7, lr;
	s5 =	simm.s32 $0xFFFFFFFF;
	p2 =	slt.u32 s8, $0xFFFFF086  }
0x1c: {  	p1 =	slt.u32 s9, $0xF7A;
	s5 =	simm.s32 @!p2 $0x0  }
0x1d: {  	s5 =	simm.s32 @p1 $0x1;
	p0 =	seq.s32 s7, s2  }
0x1e: {  	s7 =	smul.u32 @!p0 $0xF7A, s2;
	p2 =	seq.s32 @!p0 s5, $0x0  }
0x1f: {  	s9 =	smul.u32 $0xF7A, s1;
	s8 =	simm.s32 @!p0 $0x1BF5;
	p2 =	por !p2, p0  }
0x20: {  	[sflag:s8] =	ssyncset.s32 @!p0 $0xFFFFF086;
	s6 =	sadd.s32 @!p0 s3, s7;
	s7 =	simm.s32 @!p0 $0x108  }
0x21: {  	s3 =	sadd.s32 s3, s9;
	s6 =	sadd.s32 @!p0 $0x88, s6;
	s7 =	simm.s32 @p2 $0x1082  }
0x22: {  	[simem:s7], [sflag:s8] =	dma.local @!p0 [hbm:s6], $0xF7A  }
0x23: {  	s9 =	sor.u32 $0xD0000000, s2;
	s6 =	simm.s32 $0x108;
	_ =	swait.ge @!p0 [sflag:s8], $0x0  }
0x24: {  	s3 =	sadd.s32 $0x88, s3;
	s6 =	simm.s32 @!p1 $0x1082;
	[sflag:s4] =	ssyncset.s32 $0xFFFFF086  }
0x25: {  	[simem:s6], [sflag:s4] =	dma.local [hbm:s3], $0xF7A  }
0x26: {  	[smem:$0x3F9B] =	sst s1;
	(tag) =	ssettag s2;
	_ =	strace s9  }
0x27: {  	s1 =	sld [smem:$0x3FAB]  }
0x28: {  	s2 =	sld [smem:$0x3FAC]  }
0x29: {  	s4 =	sld [smem:$0x3FAE]  }
0x2a: {  	p0 =	seq.s32 s5, $0x0;
	s5 =	sld [smem:$0x3FAF]  }
0x2b: {  	s6 =	sld [smem:$0x3FB0]  }
0x2c: {  	s7 =	sld [smem:$0x3FB1]  }
0x2d: {  	s3 =	simm.s32 $0x108;
	s8 =	sld [smem:$0x3FB2]  }
0x2e: {  	s3 =	simm.s32 @!p0 $0x1082;
	s9 =	sld [smem:$0x3FB3]  }
0x2f: {  	lr =	sadd.s32 s0, s3;
	s0 =	sld [smem:$0x3FAA]  }
0x30: {  	s3 =	sld [smem:$0x3FAD]  }
0x31: {  	[smem:$0x3FB6] =	sst s10  }
0x32: {  	s10 =	sld [smem:$0x3FB4];
	_ =	sdelay $0x3  }
0x33: {  	p0 =	seq.s32 s10, $0x1;
	s10 =	sld [smem:$0x3FB6];
	_ =	sdelay $0x3  }
0x34: {  	[smem:$0x3FB6] =	sst s10  }
0x35: {  	s10 =	sld [smem:$0x3FB5];
	_ =	sdelay $0x3  }
0x36: {  	p1 =	seq.s32 s10, $0x1;
	s10 =	sld [smem:$0x3FB6];
	_ =	sdelay $0x3  }
0x37: {  	[smem:$0x3FB6] =	sst s10  }
0x38: {  	s10 =	sld [smem:$0x3FB7]  }
0x39: {  	_ = 	snop;
	(pc) =	sbr.ind lr, $3  }
0x3a: {  	_ = 	snop  }
0x3b: {  	_ = 	snop  }
0x3c: {  	p2 =	seq.s32 s10, $0x1;
	s10 =	sld [smem:$0x3FB6]  }
0x3d: {  	_ =	shalt  }
0x3e: {  	_ =	shalt  }
0x3f: {  	_ =	shalt  }
0x40: {  	_ =	shalt  }
0x41: {  	_ =	shalt  }
0x42: {  	_ =	shalt  }
0x43: {  	_ =	shalt  }
0x44: {  	_ =	shalt  }
0x45: {  	_ =	shalt  }
0x46: {  	_ =	shalt  }
0x47: {  	_ =	shalt  }
0x48: {  	_ =	shalt  }
0x49: {  	_ =	shalt  }
0x4a: {  	_ =	shalt  }
0x4b: {  	_ =	shalt  }
0x4c: {  	_ =	shalt  }
0x4d: {  	_ =	shalt  }
0x4e: {  	_ =	shalt  }
0x4f: {  	_ =	shalt  }
0x50: {  	_ =	shalt  }
0x51: {  	_ =	shalt  }
0x52: {  	_ =	shalt  }
0x53: {  	_ =	shalt  }
0x54: {  	_ =	shalt  }
0x55: {  	_ =	shalt  }
0x56: {  	_ =	shalt  }
0x57: {  	_ =	shalt  }
0x58: {  	_ =	shalt  }
0x59: {  	_ =	shalt  }
0x5a: {  	_ =	shalt  }
0x5b: {  	_ =	shalt  }
0x5c: {  	_ =	shalt  }
0x5d: {  	_ =	shalt  }
0x5e: {  	_ =	shalt  }
0x5f: {  	_ =	shalt  }
0x60: {  	_ =	shalt  }
0x61: {  	_ =	shalt  }
0x62: {  	_ =	shalt  }
0x63: {  	_ =	shalt  }
0x64: {  	_ =	shalt  }
0x65: {  	_ =	shalt  }
0x66: {  	_ =	shalt  }
0x67: {  	_ =	shalt  }
0x68: {  	_ =	shalt  }
0x69: {  	_ =	shalt  }
0x6a: {  	_ =	shalt  }
0x6b: {  	_ =	shalt  }
0x6c: {  	_ =	shalt  }
0x6d: {  	_ =	shalt  }
0x6e: {  	_ =	shalt  }
0x6f: {  	_ =	shalt  }
0x70: {  	_ =	shalt  }
0x71: {  	_ =	shalt  }
0x72: {  	_ =	shalt  }
0x73: {  	_ =	shalt  }
0x74: {  	_ =	shalt  }
0x75: {  	_ =	shalt  }
0x76: {  	_ =	shalt  }
0x77: {  	_ =	shalt  }
0x78: {  	_ =	shalt  }
0x79: {  	_ =	shalt  }
0x7a: {  	_ =	shalt  }
0x7b: {  	_ =	shalt  }
0x7c: {  	_ =	shalt  }
0x7d: {  	_ =	shalt  }
0x7e: {  	_ =	shalt  }
0x7f: {  	_ =	shalt  }
0x80: {  	_ =	shalt  }
0x81: {  	_ =	shalt  }
0x82: {  	_ =	shalt  }
0x83: {  	_ =	shalt  }
0x84: {  	_ =	shalt  }
0x85: {  	_ =	shalt  }
0x86: {  	_ =	shalt  }
0x87: {  	_ =	shalt  }
.Lfunc_end0:
.L_simem_size_0:
called_computation_lowered:
.L_overlay_start_0:
0x88: {  	s0 =	sld [smem:$0x3FD9]  }
0x89: {  	s1 =	sld [smem:$0x3FFE];
	_ =	sdelay $0x3  }
0x8a: {  	s0 =	sadd.s32 s1, s0  }
0x8b: {  	[smem:$0x3FC2] =	sst s0  }
0x8c: {  	_ = 	snop  }
0x8d: {  	s0 =	sld [smem:$0x3FC9]  }
0x8e: {  	s16 =	sld [smem:$0x3FD0];
	(tm) =	ssettm $0x1  }
0x8f: {  	s2 =	sld [smem:$0x3FFB];
	_ =	sdelay $0x3  }
0x90: {  	_ =	strace s2  }
0x91: {  	s2 =	sld [smem:$0x3FFC];
	_ =	sdelay $0x3  }
0x92: {  	_ =	strace s2  }
0x93: {  	s2 =	sld [smem:$0x3FFD];
	_ =	sdelay $0x3  }
0x94: {  	_ =	strace s2  }
0x95: {  	_ =	strace $0x8FFFFFFF  }
0x96: {  	s17 =	sld [smem:$0x3FDB];
	_ =	sdelay $0x1  }
0x97: {  	s3 =	simm.s32 $_scs_section_size  }
0x98: {  	s4 =	simm.s32 $_size__tile_overlayer_lowered;
	s5 =	simm.s32 $_tile_overlayer_lowered  }
0x99: {  	s20 =	simm.s32 $0x1BFF;
	s19 =	sshll.u32 s5, $0x1;
	s2 =	sadd.s32 s3, s17  }
0x9a: {  	s6 =	simm.s32 $0x0;
	s18 =	sshll.u32 s4, $0x1;
	s4 =	sadd.s32 s19, s2  }
0x9b: {  	[timem:s6], [sflag:s20] =	dma.local [hbm:s4], s18  }
0x9c: {  	_ =	swait.ge [sflag:s20], s18  }
0x9d: {  	s3 =	ssub.s32 $0x0, s18;
	[sflag:s20] =	ssyncset.done $0x0  }
0x9e: {  	[sflag:s20] =	ssyncadd.s32 s3;
	_ =	sdelay $0x1  }
0x9f: {  	s21 =	simm.s32 $0x1B8B  }
0xa0: {  	_ =	swait.ge [sflag:s21], $0x1  }
0xa1: {  	[sflag:s21] =	ssyncset.done $0x0  }
0xa2: {  	s23 =	simm.s32 $0x1B8E;
	s22 =	sld [smem:$0x3FFE];
	[sflag:s21] =	ssyncadd.s32 $0xFFFFFFFF  }
0xa3: {  	s24 =	simm.s32 $execute0_lowered;
	[smem:$0x3FD2] =	sst s23  }
0xa4: {  	s4 =	sshll.u32 s24, $0x1;
	_ =	strace $0x80000046;
	[dreg:$0x1] =	wrdreg $0xFFFFFFFF  }
0xa5: {  	s25 =	simm.s32 $_size_execute0_lowered;
	s2 =	sadd.s32 s2, s4;
	[dreg:$0x0] =	wrdreg $0x0  }
0xa6: {  	s4 =	sshll.u32 s25, $0x1;
	[dreg:$0x2] =	wrdreg s2  }
0xa7: {  	[dreg:$0x3] =	wrdreg s4  }
0xa8: {  	[dreg:$0x4] =	wrdreg $0xC0  }
0xa9: {  	_ =	task [dreg:s6], $0x5FFFF  }
0xaa: {  	[dreg:$0x1] =	wrdreg $0xFFFFFFFF  }
0xab: {  	[dreg:$0x0] =	wrdreg $0x60  }
0xac: {  	[dreg:$0x2] =	wrdreg s22  }
0xad: {  	[dreg:$0x3] =	wrdreg s0  }
0xae: {  	[dreg:$0x4] =	wrdreg s16  }
0xaf: {  	[dreg:$0x5] =	wrdreg $0x0  }
0xb0: {  	[dreg:$0x6] =	wrdreg $0x9  }
0xb1: {  	_ =	task.clear_ibuf [dreg:s6], $0x7FFFF;
	_ =	strace $0x90000046  }
0xb2: {  	s26 =	simm.s32 $0x9;
	_ =	strace $0x80000048  }
0xb3: {  	_ =	swait.ge [sflag:s26], $0x1  }
0xb4: {  	[sflag:s26] =	ssyncadd.s32 $0xFFFFFFFF  }
0xb5: {  	_ =	strace $0x90000048  }
0xb6: {  	_ =	sfence  }
0xb7: {  	s28 =	sld [smem:$0x0];
	_ =	sdelay $0x1  }
0xb8: {  	s29 =	srdreg.scid  }
0xb9: {  	s30 =	sshll.u32 s29, $0xD;
	s31 =	sshrl.u32 s29, $0x2  }
0xba: {  	s1 =	sand.u32 $0x1, s29;
	s2 =	sand.u32 $0x4000, s30;
	s0 =	sadd.s32 s31, s28  }
0xbb: {  	s1 =	sor.u32 s2, s1;
	s0 =	sshll.u32 s0, $0x11  }
0xbc: {  	s0 =	sor.u32 s0, s1  }
0xbd: {  	s0 =	sadd.s32 $0x8F2B, s0  }
0xbe: {  	[sflag:s0] =	ssyncadd.remote.s32 $0x1  }
0xbf: {  	_ =	sfence.sel $0xFFFF  }
0xc0: {  	[dreg:$0x0] =	wrdreg $0xFFFFFFFF;
	(pc) =	sbr.abs _section_cstart, $3  }
0xc1: {  	[dreg:$0x1] =	wrdreg $0xFFFFFFFF  }
0xc2: {  	_ =	task.clear_ibuf [dreg:s6], $0x2FFFF;
	_ =	strace $0x9FFFFFFF  }
0xc3: {  	(tm) =	ssettm $0x7FFFFFFF  }
tec
execute0_lowered:
.L_overlay_start_1:
0x0: {  	(tag) =	ssettag $0x1  }
0x1: {  	s1 =	rddreg [dreg:$0x0]  }
0x2: {  	s7 =	rddreg [dreg:$0x1]  }
0x3: {  	s0 =	rddreg [dreg:$0x2]  }
0x4: {  	s2 =	rddreg [dreg:$0x3]  }
0x5: {  	s3 =	simm.s32 $0x0;
	s17 =	stileid.u32;
	s6 =	simm.s32 $0x80  }
0x6: {  	[smem:$0x7FF] =	sst s3;
	s3 =	sadd.s32 $0xC00, s1;
	s4 =	sadd.s32 $0x285600, s1  }
0x7: {  	v0 =	vimm.f32 $0.0e+00;
	s5 =	sadd.s32 $0x271C00, s1;
	s1 =	simm.s32 $0x0;
	_ =	strace $0x80000047  }
.LBB2_1:
0x8: {  	p0 =	sne.s32 s6, $0xC780;
	[tilespmem:s1+$0x1CCF0] =	vst v0;
	s8 =	smov.u32 s6;
	s6 =	sadd.s32 $0x80, s6  }
.Ltmp0:
0x9: {  	[tilespmem:s1+$0x1CD00] =	vst v0;
	(pc) =	sbr.rel @p0 .LBB2_1-.Ltmp0, $2  }
0xa: {  	_ =	sdelay $0x2  }
0xb: {  	s1 =	sshra.s32 s8, $0x2  }
0xc: {  	s6 =	smul.u32 $0xC800, s17  }
0xd: {  	s30 =	smul.u32 $0x3200, s17  }
0xe: {  	s8 =	sor.u32 $0x10, s17;
	s19 =	smul.u32 $0x9C40, s17  }
0xf: {  	s9 =	sor.u32 $0x20, s17;
	s25 =	smul.u32 $0xC800, s8  }
0x10: {  	s12 =	sor.u32 $0x30, s17;
	s11 =	smul.u32 $0xC800, s9  }
0x11: {  	s13 =	sor.u32 $0x40, s17;
	s26 =	smul.u32 $0xC800, s12  }
0x12: {  	s15 =	sor.u32 $0x50, s17;
	s14 =	smul.u32 $0xC800, s13  }
0x13: {  	s16 =	smul.u32 $0xC800, s15  }
0x14: {  	s8 =	smul.u32 $0x3200, s8  }
0x15: {  	s9 =	smul.u32 $0x3200, s9  }
0x16: {  	p0 =	sgt.u32 s17, $0x3;
	s18 =	smul.u32 $0x3200, s12  }
0x17: {  	s10 =	simm.s32 $0x1CCF0;
	s22 =	smul.u32 $0x3200, s13;
	s12 =	simm.s32 @!p0 $0x1CCF0  }
0x18: {  	[tilespmem:s1+$0x1CCF0] =	vst v0;
	s13 =	simm.s32 $0x1A1D0;
	s6 =	sshrl.u32 s6, $0x2;
	s31 =	sadd.s32 s30, s2  }
0x19: {  	[tilespmem:s1+$0x1CD00] =	vst v0;
	s6 =	sadd.s32 s6, s2;
	s1 =	sshrl.u32 s25, $0x2;
	s11 =	sshrl.u32 s11, $0x2  }
0x1a: {  	s28 =	sshrl.u32 s14, $0x2;
	s29 =	sshrl.u32 s16, $0x2;
	s16 =	sshrl.u32 s30, $0x3  }
0x1b: {  	[spmem:s6] =	stream.linear.scatter [tilespmem:s10], [sflag:$0x1], $0x3200, $0x38;
	[tilespmem:$0x1FEF0] =	vst v63  }
0x1c: {  	s20 =	sadd.s32 s9, s2;
	s9 =	sshrl.u32 s9, $0x3;
	s6 =	simm.s32 $0x1  }
0x1d: {  	s21 =	sshrl.u32 s18, $0x3;
	s24 =	sshrl.u32 s22, $0x3;
	_ =	swait.ge [sflag:s6], $0x3200  }
0x1e: {  	s25 =	smul.u32 $0x3200, s15;
	s15 =	simm.s32 $0x1ABD0;
	[sflag:s6] =	ssyncset.done $0x0  }
0x1f: {  	s1 =	sadd.s32 s1, s2;
	s11 =	sadd.s32 s11, s2;
	[sflag:s6] =	ssyncadd.s32 $0xFFFFCE00  }
0x20: {  	[spmem:s1] =	stream.linear.scatter [tilespmem:s10], [sflag:$0x1], $0x3200, $0x38;
	[tilespmem:$0x1FEF0] =	vst v63  }
0x21: {  	s14 =	sadd.s32 s29, s2;
	s16 =	sadd.s32 s0, s16;
	_ =	swait.ge [sflag:s6], $0x3200  }
0x22: {  	s9 =	sadd.s32 s0, s9;
	s23 =	sadd.s32 s0, s21;
	[sflag:s6] =	ssyncset.done $0x0  }
0x23: {  	s21 =	simm.s32 $0x0;
	s1 =	sshrl.u32 s26, $0x2;
	[sflag:s6] =	ssyncadd.s32 $0xFFFFCE00  }
0x24: {  	[spmem:s11] =	stream.linear.scatter [tilespmem:s10], [sflag:$0x1], $0x3200, $0x38;
	[tilespmem:$0x1FEF0] =	vst v63  }
0x25: {  	s26 =	sshrl.u32 s25, $0x3;
	s1 =	sadd.s32 s1, s2;
	_ =	swait.ge [sflag:s6], $0x3200  }
0x26: {  	s29 =	sadd.s32 s0, s26;
	s11 =	sadd.s32 s28, s2;
	[sflag:s6] =	ssyncset.done $0x0  }
0x27: {  	s28 =	sadd.s32 s25, s2;
	s25 =	simm.s32 $0x50;
	[sflag:s6] =	ssyncadd.s32 $0xFFFFCE00  }
0x28: {  	[spmem:s1] =	stream.linear.scatter [tilespmem:s10], [sflag:$0x1], $0x3200, $0x38;
	[tilespmem:$0x1FEF0] =	vst v63  }
0x29: {  	s1 =	sor.u32 $0x60, s17;
	_ =	swait.ge [sflag:s6], $0x3200;
	[dreg:$0xc] =	wrdreg s31  }
0x2a: {  	s17 =	sadd.s32 s8, s2;
	s8 =	sshrl.u32 s8, $0x3;
	[dreg:$0xd] =	wrdreg s16  }
0x2b: {  	[dreg:$0x6] =	wrdreg s17;
	s8 =	sadd.s32 s0, s8;
	[sflag:s6] =	ssyncset.done $0x0  }
0x2c: {  	s16 =	simm.s32 $0x1CC50;
	s17 =	simm.s32 $0x1B5D0;
	[sflag:s6] =	ssyncadd.s32 $0xFFFFCE00  }
0x2d: {  	[spmem:s11] =	stream.linear.scatter [tilespmem:s10], [sflag:$0x1], $0x3200, $0x38;
	[tilespmem:$0x1FEF0] =	vst v63  }
0x2e: {  	s11 =	sadd.s32 s22, s2;
	_ =	swait.ge [sflag:s6], $0x3200;
	[dreg:$0x9] =	wrdreg s8  }
0x2f: {  	s22 =	simm.s32 $0x0;
	[dreg:$0xa] =	wrdreg s20;
	[sflag:s6] =	ssyncset.done $0x0  }
0x30: {  	[dreg:$0x7] =	wrdreg s9;
	s8 =	sadd.s32 s18, s2;
	[sflag:s6] =	ssyncadd.s32 $0xFFFFCE00  }
0x31: {  	[spmem:s14] =	stream.linear.scatter [tilespmem:s10], [sflag:$0x1], $0x3200, $0x38;
	[tilespmem:$0x1FEF0] =	vst v63  }
0x32: {  	s9 =	sadd.s32 s0, s24;
	s24 =	simm.s32 $0x165D0;
	s10 =	smul.u32 @!p0 $0xC800, s1  }
0x33: {  	s18 =	simm.s32 $0x1CCA0;
	_ =	swait.ge [sflag:s6], $0x3200;
	[dreg:$0x11] =	wrdreg s8  }
0x34: {  	[dreg:$0xe] =	wrdreg s23;
	[sflag:s6] =	ssyncset.done $0x0;
	s10 =	sshrl.u32 @!p0 s10, $0x2  }
0x35: {  	s8 =	simm.s32 @!p0 $0x1;
	[sflag:s6] =	ssyncadd.s32 $0xFFFFCE00;
	s10 =	sadd.s32 @!p0 s10, s2  }
0x36: {  	[spmem:s10] =	stream.linear.scatter @!p0 [tilespmem:s12], [sflag:$0x1], $0x3200, $0x38;
	[tilespmem:$0x1FEF0] =	vst v63  }
0x37: {  	s20 =	simm.s32 $0x1BFD0;
	s1 =	smul.u32 $0x3200, s1;
	_ =	swait.ge @!p0 [sflag:s8], $0x3200  }
0x38: {  	s14 =	simm.s32 $0x1CC00;
	[dreg:$0x10] =	wrdreg s11;
	[sflag:s8] =	ssyncset.done @!p0 $0x0  }
0x39: {  	s23 =	simm.s32 $0x13880;
	[dreg:$0xb] =	wrdreg s9;
	[sflag:s8] =	ssyncadd.s32 @!p0 $0xFFFFCE00  }
0x3a: {  	s30 =	sadd.s32 s1, s2;
	s1 =	sshrl.u32 s1, $0x3;
	[bflag:$0x0] =	sbarrier.arrive $0xFFFF  }
0x3b: {  	[tilespmem:s23], [sflag:$0x1] =	stream.linear.gather [hbm4b:s7+s22], $0x2710, $0x38;
	[tilespmem:$0x1FEF0] =	vst v63  }
0x3c: {  	s31 =	sadd.s32 s0, s1;
	s0 =	simm.s32 $0x1CAC0;
	[dreg:$0x12] =	wrdreg s28  }
0x3d: {  	s10 =	simm.s32 $0x1CB60;
	s12 =	simm.s32 $0x1CBB0;
	[dreg:$0xf] =	wrdreg s29  }
0x3e: {  	s9 =	simm.s32 $0x18DD0;
	s11 =	simm.s32 $0x197D0;
	_ =	swait.ge [sflag:s6], $0x2710  }
0x3f: {  	s8 =	simm.s32 $0x1CB10;
	[dreg:$0x8] =	wrdreg s30;
	[sflag:s6] =	ssyncset.done $0x0  }
0x40: {  	s7 =	simm.s32 $0x183D0;
	[dreg:$0x5] =	wrdreg s31;
	[sflag:s6] =	ssyncadd.s32 $0xFFFFD8F0  }
.LBB2_3:
0x41: {  	s1 =	smul.u32 $0x320, s21;
	_ =	sdelay $0x1  }
0x42: {  	s28 =	sadd.s32 s19, s1  }
0x43: {  	s26 =	sshrl.u32 s28, $0x3  }
0x44: {  	s1 =	simm.s32 $0x15F90;
	s29 =	sadd.s32 s4, s26  }
0x45: {  	[tilespmem:s1], [sflag:$0x1] =	stream.linear.gather [hbm4b:s29+s22], $0x320, $0x38;
	[tilespmem:$0x1FEF0] =	vst v63  }
0x46: {  	_ =	swait.ge [sflag:s6], $0x320  }
0x47: {  	[sflag:s6] =	ssyncset.done $0x0  }
0x48: {  	s29 =	sadd.s32 s5, s26;
	s26 =	simm.s32 $0x162B0;
	[sflag:s6] =	ssyncadd.s32 $0xFFFFFCE0  }
0x49: {  	[tilespmem:s26], [sflag:$0x1] =	stream.linear.gather [hbm4b:s29+s22], $0x320, $0x38;
	[tilespmem:$0x1FEF0] =	vst v63  }
0x4a: {  	_ =	swait.ge [sflag:s6], $0x320  }
0x4b: {  	s28 =	sshll.u32 s28, $0x2;
	[sflag:s6] =	ssyncset.done $0x0  }
0x4c: {  	s28 =	sadd.s32 s3, s28;
	[sflag:s6] =	ssyncadd.s32 $0xFFFFFCE0  }
0x4d: {  	[tilespmem:s24], [sflag:$0x1] =	stream.linear.gather [hbm4b:s28+s22], $0x6400, $0x38;
	[tilespmem:$0x1FEF0] =	vst v63  }
0x4e: {  	_ =	swait.ge [sflag:s6], $0x6400  }
0x4f: {  	[sflag:s6] =	ssyncset.done $0x0  }
0x50: {  	[sflag:s6] =	ssyncadd.s32 $0xFFFF9C00  }
0x51: {  	v0 =	vld [tilespmem:s26+$0x0];
	_ =	sdelay $0x3  }
0x52: {  	s28 =	smul.u32 $0xCD, s22;
	_ =	sdelay $0x1  }
0x53: {  	s28 =	sshrl.u32 s28, $0xA  }
0x54: {  	s28 =	sand.u32 $0x3F, s28;
	v1 =	vld [tilespmem:s1+$0x0]  }
0x55: {  	s29 =	smul.u32 $0x5, s28;
	v0 =	vld.idx.msk [tilespmem:v0+s23+$0x0], $0xffff;
	_ =	sdelay $0x1  }
0x56: {  	s28 =	smul.u32 $0x140, s28;
	s29 =	ssub.s32 $0x0, s29  }
0x57: {  	s29 =	sand.u32 $0xFF, s29  }
0x58: {  	s30 =	sshrl.u32 s28, $0x2;
	s29 =	sshll.u32 s29, $0x4;
	v1 =	vshll.u32 v1, $0x2  }
0x59: {  	s28 =	simm.s32 $0x1;
	s29 =	sadd.s32 s29, s30;
	v0 =	vadd.s32 v0, v1  }
.LBB2_4:
0x5a: {  	p1 =	sne.s32 s28, $0x31;
	[tilespmem:s29+$0x1C9D0] =	vst v0;
	s26 =	sadd.s32 $0x10, s26;
	s1 =	sadd.s32 $0x10, s1  }
0x5b: {  	s29 =	smov.u32 s28;
	s28 =	sadd.s32 $0x1, s28;
	v0 =	vld [tilespmem:s26+$0x0];
	_ =	sdelay $0x4  }
0x5c: {  	s30 =	smul.u32 $0xCD, s29;
	_ =	sdelay $0x1  }
0x5d: {  	s30 =	sshrl.u32 s30, $0xA;
	v1 =	vld [tilespmem:s1+$0x0]  }
0x5e: {  	s30 =	sand.u32 $0x3F, s30;
	v0 =	vld.idx.msk [tilespmem:v0+s23+$0x0], $0xffff  }
0x5f: {  	s31 =	smul.u32 $0x5, s30  }
.Ltmp1:
0x60: {  	(pc) =	sbr.rel @p1 .LBB2_4-.Ltmp1, $4  }
0x61: {  	s30 =	smul.u32 $0x140, s30;
	s29 =	ssub.s32 s29, s31  }
0x62: {  	s29 =	sand.u32 $0xFF, s29  }
0x63: {  	s30 =	sshrl.u32 s30, $0x2;
	s29 =	sshll.u32 s29, $0x4;
	v1 =	vshll.u32 v1, $0x2  }
0x64: {  	s29 =	sadd.s32 s29, s30;
	v0 =	vadd.s32 v0, v1  }
0x65: {  	[tilespmem:s29+$0x1C9D0] =	vst v0;
	s1 =	simm.s32 $0x1C9D0  }
0x66: {  	[spmem:s2] =	stream.indirect.scatter.add.f32 [tilespmem:s24], [sflag:$0x1], $0x20, s1, s25, $0xb8;
	[tilespmem:$0x1FEF0] =	vst v63  }
0x67: {  	_ =	swait.ge [sflag:s6], $0xA00  }
0x68: {  	[sflag:s6] =	ssyncset.done $0x0  }
0x69: {  	s29 =	simm.s32 $0x1CA20;
	s26 =	simm.s32 $0x16FD0;
	[sflag:s6] =	ssyncadd.s32 $0xFFFFF600  }
0x6a: {  	[spmem:s2] =	stream.indirect.scatter.add.f32 [tilespmem:s26], [sflag:$0x1], $0x20, s29, s25, $0xb8;
	[tilespmem:$0x1FEF0] =	vst v63  }
0x6b: {  	_ =	swait.ge [sflag:s6], $0xA00  }
0x6c: {  	[sflag:s6] =	ssyncset.done $0x0  }
0x6d: {  	s30 =	simm.s32 $0x1CA70;
	s31 =	simm.s32 $0x179D0;
	[sflag:s6] =	ssyncadd.s32 $0xFFFFF600  }
0x6e: {  	[spmem:s2] =	stream.indirect.scatter.add.f32 [tilespmem:s31], [sflag:$0x1], $0x20, s30, s25, $0xb8;
	[tilespmem:$0x1FEF0] =	vst v63  }
0x6f: {  	_ =	swait.ge [sflag:s6], $0xA00  }
0x70: {  	[sflag:s6] =	ssyncset.done $0x0  }
0x71: {  	[sflag:s6] =	ssyncadd.s32 $0xFFFFF600  }
0x72: {  	[spmem:s2] =	stream.indirect.scatter.add.f32 [tilespmem:s7], [sflag:$0x1], $0x20, s0, s25, $0xb8;
	[tilespmem:$0x1FEF0] =	vst v63  }
0x73: {  	_ =	swait.ge [sflag:s6], $0xA00  }
0x74: {  	[sflag:s6] =	ssyncset.done $0x0  }
0x75: {  	[sflag:s6] =	ssyncadd.s32 $0xFFFFF600  }
0x76: {  	[spmem:s2] =	stream.indirect.scatter.add.f32 [tilespmem:s9], [sflag:$0x1], $0x20, s8, s25, $0xb8;
	[tilespmem:$0x1FEF0] =	vst v63  }
0x77: {  	_ =	swait.ge [sflag:s6], $0xA00  }
0x78: {  	[sflag:s6] =	ssyncset.done $0x0  }
0x79: {  	[sflag:s6] =	ssyncadd.s32 $0xFFFFF600  }
0x7a: {  	[spmem:s2] =	stream.indirect.scatter.add.f32 [tilespmem:s11], [sflag:$0x1], $0x20, s10, s25, $0xb8;
	[tilespmem:$0x1FEF0] =	vst v63  }
0x7b: {  	_ =	swait.ge [sflag:s6], $0xA00  }
0x7c: {  	[sflag:s6] =	ssyncset.done $0x0  }
0x7d: {  	[sflag:s6] =	ssyncadd.s32 $0xFFFFF600  }
0x7e: {  	[spmem:s2] =	stream.indirect.scatter.add.f32 [tilespmem:s13], [sflag:$0x1], $0x20, s12, s25, $0xb8;
	[tilespmem:$0x1FEF0] =	vst v63  }
0x7f: {  	_ =	swait.ge [sflag:s6], $0xA00  }
0x80: {  	[sflag:s6] =	ssyncset.done $0x0  }
0x81: {  	[sflag:s6] =	ssyncadd.s32 $0xFFFFF600  }
0x82: {  	[spmem:s2] =	stream.indirect.scatter.add.f32 [tilespmem:s15], [sflag:$0x1], $0x20, s14, s25, $0xb8;
	[tilespmem:$0x1FEF0] =	vst v63  }
0x83: {  	_ =	swait.ge [sflag:s6], $0xA00  }
0x84: {  	[sflag:s6] =	ssyncset.done $0x0  }
0x85: {  	[sflag:s6] =	ssyncadd.s32 $0xFFFFF600  }
0x86: {  	[spmem:s2] =	stream.indirect.scatter.add.f32 [tilespmem:s17], [sflag:$0x1], $0x20, s16, s25, $0xb8;
	[tilespmem:$0x1FEF0] =	vst v63  }
0x87: {  	s21 =	sadd.s32 $0x1, s21;
	_ =	swait.ge [sflag:s6], $0xA00  }
0x88: {  	p1 =	sne.s32 s21, $0x32;
	[sflag:s6] =	ssyncset.done $0x0  }
.Ltmp2:
0x89: {  	[sflag:s6] =	ssyncadd.s32 $0xFFFFF600;
	(pc) =	sbr.rel @p1 .LBB2_3-.Ltmp2, $4  }
0x8a: {  	[spmem:s2] =	stream.indirect.scatter.add.f32 [tilespmem:s20], [sflag:$0x1], $0x20, s18, s25, $0xb8;
	[tilespmem:$0x1FEF0] =	vst v63  }
0x8b: {  	_ =	swait.ge [sflag:s6], $0xA00  }
0x8c: {  	[sflag:s6] =	ssyncset.done $0x0  }
0x8d: {  	[sflag:s6] =	ssyncadd.s32 $0xFFFFF600  }
0x8e: {  	[bflag:$0x0] =	sbarrier.arrive $0xFFFF  }
0x8f: {  	s0 =	simm.s32 $0x1CCF0;
	s19 =	simm.s32 $0x1;
	s1 =	rddreg [dreg:$0xc]  }
0x90: {  	[tilespmem:s0], [sflag:$0x1] =	stream.linear.gather [spmem:s1], $0x3200, $0x38;
	[tilespmem:$0x1FEF0] =	vst v63  }
0x91: {  	_ =	swait.ge [sflag:s19], $0x3200  }
0x92: {  	[sflag:s19] =	ssyncset.done $0x0  }
0x93: {  	s2 =	simm.s32 $0x0;
	s3 =	rddreg [dreg:$0xd];
	[sflag:s19] =	ssyncadd.s32 $0xFFFFCE00  }
0x94: {  	[hbm4b:s3+s2] =	stream.linear.scatter [tilespmem:s0], [sflag:$0x1], $0x3200, $0x38;
	[tilespmem:$0x1FEF0] =	vst v63  }
0x95: {  	_ =	swait.ge [sflag:s19], $0x3200  }
0x96: {  	[sflag:s19] =	ssyncset.done $0x0  }
0x97: {  	s20 =	rddreg [dreg:$0x6];
	[sflag:s19] =	ssyncadd.s32 $0xFFFFCE00  }
0x98: {  	[tilespmem:s0], [sflag:$0x1] =	stream.linear.gather [spmem:s20], $0x3200, $0x38;
	[tilespmem:$0x1FEF0] =	vst v63  }
0x99: {  	_ =	swait.ge [sflag:s19], $0x3200  }
0x9a: {  	[sflag:s19] =	ssyncset.done $0x0  }
0x9b: {  	s21 =	rddreg [dreg:$0x9];
	[sflag:s19] =	ssyncadd.s32 $0xFFFFCE00  }
0x9c: {  	[hbm4b:s21+s2] =	stream.linear.scatter [tilespmem:s0], [sflag:$0x1], $0x3200, $0x38;
	[tilespmem:$0x1FEF0] =	vst v63  }
0x9d: {  	_ =	swait.ge [sflag:s19], $0x3200  }
0x9e: {  	[sflag:s19] =	ssyncset.done $0x0  }
0x9f: {  	s22 =	rddreg [dreg:$0xa];
	[sflag:s19] =	ssyncadd.s32 $0xFFFFCE00  }
0xa0: {  	[tilespmem:s0], [sflag:$0x1] =	stream.linear.gather [spmem:s22], $0x3200, $0x38;
	[tilespmem:$0x1FEF0] =	vst v63  }
0xa1: {  	_ =	swait.ge [sflag:s19], $0x3200  }
0xa2: {  	[sflag:s19] =	ssyncset.done $0x0  }
0xa3: {  	s23 =	rddreg [dreg:$0x7];
	[sflag:s19] =	ssyncadd.s32 $0xFFFFCE00  }
0xa4: {  	[hbm4b:s23+s2] =	stream.linear.scatter [tilespmem:s0], [sflag:$0x1], $0x3200, $0x38;
	[tilespmem:$0x1FEF0] =	vst v63  }
0xa5: {  	_ =	swait.ge [sflag:s19], $0x3200  }
0xa6: {  	[sflag:s19] =	ssyncset.done $0x0  }
0xa7: {  	s24 =	rddreg [dreg:$0x11];
	[sflag:s19] =	ssyncadd.s32 $0xFFFFCE00  }
0xa8: {  	[tilespmem:s0], [sflag:$0x1] =	stream.linear.gather [spmem:s24], $0x3200, $0x38;
	[tilespmem:$0x1FEF0] =	vst v63  }
0xa9: {  	_ =	swait.ge [sflag:s19], $0x3200  }
0xaa: {  	[sflag:s19] =	ssyncset.done $0x0  }
0xab: {  	s25 =	rddreg [dreg:$0xe];
	[sflag:s19] =	ssyncadd.s32 $0xFFFFCE00  }
0xac: {  	[hbm4b:s25+s2] =	stream.linear.scatter [tilespmem:s0], [sflag:$0x1], $0x3200, $0x38;
	[tilespmem:$0x1FEF0] =	vst v63  }
0xad: {  	_ =	swait.ge [sflag:s19], $0x3200  }
0xae: {  	[sflag:s19] =	ssyncset.done $0x0  }
0xaf: {  	s26 =	rddreg [dreg:$0x10];
	[sflag:s19] =	ssyncadd.s32 $0xFFFFCE00  }
0xb0: {  	[tilespmem:s0], [sflag:$0x1] =	stream.linear.gather [spmem:s26], $0x3200, $0x38;
	[tilespmem:$0x1FEF0] =	vst v63  }
0xb1: {  	_ =	swait.ge [sflag:s19], $0x3200  }
0xb2: {  	[sflag:s19] =	ssyncset.done $0x0  }
0xb3: {  	s28 =	rddreg [dreg:$0xb];
	[sflag:s19] =	ssyncadd.s32 $0xFFFFCE00  }
0xb4: {  	[hbm4b:s28+s2] =	stream.linear.scatter [tilespmem:s0], [sflag:$0x1], $0x3200, $0x38;
	[tilespmem:$0x1FEF0] =	vst v63  }
0xb5: {  	_ =	swait.ge [sflag:s19], $0x3200  }
0xb6: {  	[sflag:s19] =	ssyncset.done $0x0  }
0xb7: {  	s29 =	rddreg [dreg:$0x12];
	[sflag:s19] =	ssyncadd.s32 $0xFFFFCE00  }
0xb8: {  	[tilespmem:s0], [sflag:$0x1] =	stream.linear.gather [spmem:s29], $0x3200, $0x38;
	[tilespmem:$0x1FEF0] =	vst v63  }
0xb9: {  	_ =	swait.ge [sflag:s19], $0x3200  }
0xba: {  	[sflag:s19] =	ssyncset.done $0x0  }
0xbb: {  	s30 =	rddreg [dreg:$0xf];
	[sflag:s19] =	ssyncadd.s32 $0xFFFFCE00  }
0xbc: {  	[hbm4b:s30+s2] =	stream.linear.scatter [tilespmem:s0], [sflag:$0x1], $0x3200, $0x38;
	[tilespmem:$0x1FEF0] =	vst v63  }
0xbd: {  	_ =	swait.ge [sflag:s19], $0x3200  }
0xbe: {  	[sflag:s19] =	ssyncset.done $0x0  }
0xbf: {  	s0 =	simm.s32 @!p0 $0x1CCF0;
	s1 =	rddreg [dreg:$0x8];
	[sflag:s19] =	ssyncadd.s32 $0xFFFFCE00  }
0xc0: {  	[tilespmem:s0], [sflag:$0x1] =	stream.linear.gather @!p0 [spmem:s1], $0x3200, $0x38;
	[tilespmem:$0x1FEF0] =	vst v63  }
0xc1: {  	s1 =	simm.s32 @!p0 $0x1  }
0xc2: {  	_ =	swait.ge @!p0 [sflag:s1], $0x3200  }
0xc3: {  	[sflag:s1] =	ssyncset.done @!p0 $0x0  }
0xc4: {  	s2 =	simm.s32 @!p0 $0x0;
	s3 =	rddreg [dreg:$0x5];
	[sflag:s1] =	ssyncadd.s32 @!p0 $0xFFFFCE00  }
0xc5: {  	[hbm4b:s3+s2] =	stream.linear.scatter @!p0 [tilespmem:s0], [sflag:$0x1], $0x3200, $0x38;
	[tilespmem:$0x1FEF0] =	vst v63  }
0xc6: {  	_ =	swait.ge @!p0 [sflag:s1], $0x3200  }
0xc7: {  	[sflag:s1] =	ssyncset.done @!p0 $0x0  }
0xc8: {  	[sflag:s1] =	ssyncadd.s32 @!p0 $0xFFFFCE00  }
0xc9: {  	_ =	sfence.sel $0x180000  }
0xca: {  	[bflag:$0x0] =	sbarrier.arrive $0xFFFF  }
0xcb: {  	_ =	strace $0x90000047  }
0xcc: {  	s31 =	stileid.u32;
	[bflag:$0x2] =	sbarrier.arrive $0xFFFF  }
0xcd: {  	p0 =	sne.s32 s31, $0x0;
	s0 =	rddreg [dreg:$0x4]  }
0xce: {  	s0 =	sadd.s32 @!p0 $0x100000, s0  }
0xcf: {  	[sflag:s0] =	ssyncadd.tile.s32 @!p0 $0x1;
	_ =	shalt  }
.Lfunc_end2:
_tile_overlayer_lowered:
.L_overlay_start_2:
0xd0: {  	(tag) =	ssettag $0x2  }
0xd1: {  	s0 =	rddreg [dreg:$0x0];
	s2 =	stileid.u32  }
0xd2: {  	s1 =	rddreg [dreg:$0x1];
	p0 =	sne.s32 s2, $0x0  }
0xd3: {  	s3 =	rddreg [dreg:$0x2];
	[bflag:$0x3] =	sbarrier.arrive $0xFFFF;
	s2 =	simm.s32 @!p0 $0x1C01  }
0xd4: {  	[timem:s3], [sflag:s2] =	dma.local @!p0 [hbm:s0], s1  }
0xd5: {  	s0 =	simm.s32 @!p0 $0x1  }
0xd6: {  	_ =	swait.ge @!p0 [sflag:s0], s1  }
0xd7: {  	s1 =	ssub.s32 @!p0 $0x0, s1;
	[sflag:s0] =	ssyncset.done @!p0 $0x0  }
0xd8: {  	[sflag:s0] =	ssyncadd.s32 @!p0 s1  }
0xd9: {  	[bflag:$0x3] =	sbarrier.arrive $0xFFFF  }
0xda: {  	_ =	shalt  }

</sc_bundles>
